<compile_context>
chip_gen: v7x
topology: tpu7x:2x2x1
jax: 0.10.2.dev20260603
libtpu: 0.0.44.dev20260713+nightly
codegen_flags: <defaults>
</compile_context>

<pallas_src>
import functools

import jax
import jax.numpy as jnp
from jax import lax
from jax.experimental import pallas as pl
from jax.experimental.pallas import tpu as pltpu
from jax.experimental.pallas import tpu_sc as plsc

N_NODES = 10000
E = 320000
IN_CH = 128
HID = 128
OUT = 64
COMM_DIM = 8
CEMB_PAD = 128

NC, NS = 2, 16
NW = NC * NS
EPT = E // NW
CHUNK = 80
NCHUNK = EPT // CHUNK
NP = 10240
ROWS_PT = NP // NS
C_PAD = NP
CROWS = C_PAD // NW
NCCHUNK = CROWS // CHUNK

_mesh = plsc.VectorSubcoreMesh(core_axis_name="c", subcore_axis_name="s")


def _prep_body(dst_hbm, cids_hbm, cemb_hbm, ones_hbm, z16_hbm,
               deg_out, c_out,
               ones_v, idx_v, rows_v, acc, sem):
    c = lax.axis_index("c")
    s = lax.axis_index("s")
    w = c * NS + s
    pltpu.sync_copy(z16_hbm, acc.at[pl.ds(s * ROWS_PT, ROWS_PT), :])
    pltpu.sync_copy(ones_hbm, ones_v)
    plsc.subcore_barrier()

    ebase = c * (E // NC) + s * EPT

    def deg_step(i, _):
        pltpu.sync_copy(dst_hbm.at[pl.ds(ebase + i * CHUNK, CHUNK)], idx_v)
        pltpu.sync_copy(ones_v, acc.at[idx_v], add=True)
        return 0

    lax.fori_loop(0, NCHUNK, deg_step, 0)

    cbase = w * CROWS

    def comm_step(i, _):
        b = cbase + i * CHUNK
        pltpu.sync_copy(cids_hbm.at[pl.ds(b, CHUNK)], idx_v)
        pltpu.async_copy(cemb_hbm.at[idx_v], rows_v, sem).wait()
        pltpu.sync_copy(rows_v, c_out.at[pl.ds(b, CHUNK), :])
        return 0

    lax.fori_loop(0, NCCHUNK, comm_step, 0)

    plsc.subcore_barrier()
    pltpu.sync_copy(acc.at[pl.ds(s * ROWS_PT, ROWS_PT), :],
                    deg_out.at[c, pl.ds(s * ROWS_PT, ROWS_PT), :])


_prep = pl.kernel(
    _prep_body,
    out_type=(jax.ShapeDtypeStruct((NC, NP, 16), jnp.float32),
              jax.ShapeDtypeStruct((C_PAD, CEMB_PAD), jnp.float32)),
    mesh=_mesh,
    scratch_types=[
        pltpu.VMEM((CHUNK, 16), jnp.float32),
        pltpu.VMEM((CHUNK,), jnp.int32),
        pltpu.VMEM((CHUNK, CEMB_PAD), jnp.float32),
        pltpu.VMEM_SHARED((NP, 16), jnp.float32),
        pltpu.SemaphoreType.DMA,
    ],
)


def _edge_body(p_hbm, src_hbm, dst_hbm, zrow_hbm,
               agg_out, src_v, dst_v, rows_v, acc, sem):
    c = lax.axis_index("c")
    s = lax.axis_index("s")
    pltpu.sync_copy(zrow_hbm, acc.at[pl.ds(s * ROWS_PT, ROWS_PT), :])
    plsc.subcore_barrier()

    ebase = c * (E // NC) + s * EPT

    def step(i, _):
        b = ebase + i * CHUNK
        pltpu.sync_copy(src_hbm.at[pl.ds(b, CHUNK)], src_v)
        pltpu.sync_copy(dst_hbm.at[pl.ds(b, CHUNK)], dst_v)
        pltpu.async_copy(p_hbm.at[src_v], rows_v, sem).wait()
        pltpu.sync_copy(rows_v, acc.at[dst_v], add=True)
        return 0

    lax.fori_loop(0, NCHUNK, step, 0)

    plsc.subcore_barrier()
    pltpu.sync_copy(acc.at[pl.ds(s * ROWS_PT, ROWS_PT), :],
                    agg_out.at[c, pl.ds(s * ROWS_PT, ROWS_PT), :])


def _make_edge_kernel(width):
    return pl.kernel(
        _edge_body,
        out_type=jax.ShapeDtypeStruct((NC, NP, width), jnp.float32),
        mesh=_mesh,
        scratch_types=[
            pltpu.VMEM((CHUNK,), jnp.int32),
            pltpu.VMEM((CHUNK,), jnp.int32),
            pltpu.VMEM((CHUNK, width), jnp.float32),
            pltpu.VMEM_SHARED((NP, width), jnp.float32),
            pltpu.SemaphoreType.DMA,
        ],
    )


_edge = _make_edge_kernel(HID)


def _tc1_body(x_ref, c_ref, w1_ref, deg_ref, p1_ref):
    dinv = lax.rsqrt(deg_ref[0, 0:N_NODES, 0:1] + deg_ref[1, 0:N_NODES, 0:1])
    h = jnp.dot(x_ref[...], w1_ref[0:IN_CH, :],
                preferred_element_type=jnp.float32)
    h = h + jnp.dot(c_ref[0:N_NODES, 0:COMM_DIM],
                    w1_ref[IN_CH:IN_CH + COMM_DIM, :],
                    preferred_element_type=jnp.float32)
    p1_ref[0:N_NODES, :] = h * dinv


_tc1 = pl.pallas_call(
    _tc1_body,
    out_shape=jax.ShapeDtypeStruct((NP, HID), jnp.float32),
)


def _tc2_body(agg_ref, p1_ref, deg_ref, b1_ref, q_ref):
    dinv = lax.rsqrt(deg_ref[0, 0:N_NODES, 0:1] + deg_ref[1, 0:N_NODES, 0:1])
    t = ((agg_ref[0, 0:N_NODES, :] + agg_ref[1, 0:N_NODES, :]
          + p1_ref[0:N_NODES, :]) * dinv + b1_ref[...])
    q_ref[0:N_NODES, :] = jnp.maximum(t, 0.0) * dinv


_tc2 = pl.pallas_call(
    _tc2_body,
    out_shape=jax.ShapeDtypeStruct((NP, HID), jnp.float32),
)


def _tc3_body(agg_ref, q_ref, deg_ref, w2_ref, b2_ref, out_ref):
    dinv = lax.rsqrt(deg_ref[0, 0:N_NODES, 0:1] + deg_ref[1, 0:N_NODES, 0:1])
    s = (agg_ref[0, 0:N_NODES, :] + agg_ref[1, 0:N_NODES, :]
         + q_ref[0:N_NODES, :])
    out_ref[...] = (jnp.dot(s, w2_ref[...], preferred_element_type=jnp.float32)
                    * dinv + b2_ref[...])


_tc3 = pl.pallas_call(
    _tc3_body,
    out_shape=jax.ShapeDtypeStruct((N_NODES, OUT), jnp.float32),
)


def kernel(x, edge_index, comm_ids, comm_emb, W1, b1, W2, b2):
    src = edge_index[0].astype(jnp.int32)
    dst = edge_index[1].astype(jnp.int32)
    cids = jnp.pad(comm_ids.astype(jnp.int32), (0, C_PAD - N_NODES))
    cemb = jnp.pad(comm_emb, ((0, 0), (0, CEMB_PAD - COMM_DIM)))
    ones16 = jnp.ones((CHUNK, 16), jnp.float32)
    z16 = jnp.zeros((ROWS_PT, 16), jnp.float32)
    z128 = jnp.zeros((ROWS_PT, HID), jnp.float32)

    deg2, cpad = _prep(dst, cids, cemb, ones16, z16)
    p1 = _tc1(x, cpad, W1, deg2)
    agg1 = _edge(p1, src, dst, z128)
    q = _tc2(agg1, p1, deg2, b1.reshape(1, HID))
    aggq = _edge(q, src, dst, z128)
    return _tc3(aggq, q, deg2, W2, b2.reshape(1, OUT))

# --- scband reference (transcript-rebuilt; emitter-appended) ---
"""Pipeline reference for scband-gcn-72619307041133 (READ-ONLY COPY).

The authoritative reference and input builder live on the scoring server;
editing this copy changes nothing except your own understanding.
"""

import jax, jax.numpy as jnp
import numpy as np

N_NODES = 10000
E = 320000
IN_CH = 128
HID = 128
OUT = 64
NUM_COMM = 1000
COMM_DIM = 8


def setup_inputs(seed: int = 0) -> dict:
    key = jax.random.key(seed)
    ks = jax.random.split(key, 9)
    x = jax.random.normal(ks[0], (N_NODES, IN_CH), dtype=jnp.float32)
    edge_index = jax.random.randint(ks[1], (2, E), 0, N_NODES, dtype=jnp.int64)
    comm_ids = jax.random.randint(ks[2], (N_NODES,), 0, NUM_COMM, dtype=jnp.int64)
    comm_emb = jax.random.normal(ks[3], (NUM_COMM, COMM_DIM), dtype=jnp.float32) * 0.1
    fan1 = IN_CH + COMM_DIM
    W1 = jax.random.normal(ks[4], (fan1, HID), dtype=jnp.float32) / np.sqrt(fan1)
    b1 = jnp.zeros((HID,), dtype=jnp.float32)
    W2 = jax.random.normal(ks[5], (HID, OUT), dtype=jnp.float32) / np.sqrt(HID)
    b2 = jnp.zeros((OUT,), dtype=jnp.float32)
    return {"x": x, "edge_index": edge_index, "comm_ids": comm_ids,
            "comm_emb": comm_emb, "W1": W1, "b1": b1, "W2": W2, "b2": b2}


def _gcn_conv(x, src, dst, W, b, num_nodes):
    # PyG GCNConv: add self-loops, symmetric normalization, linear-then-propagate
    loop = jnp.arange(num_nodes, dtype=src.dtype)
    src_f = jnp.concatenate([src, loop])
    dst_f = jnp.concatenate([dst, loop])
    deg = jnp.zeros((num_nodes,), dtype=x.dtype).at[dst_f].add(1.0)
    dinv = jnp.where(deg > 0, deg ** -0.5, 0.0)
    norm = dinv[src_f] * dinv[dst_f]
    h = x @ W
    msg = h[src_f] * norm[:, None]
    out = jnp.zeros((num_nodes, W.shape[1]), dtype=x.dtype).at[dst_f].add(msg)
    return out + b


def reference(x, edge_index, comm_ids, comm_emb, W1, b1, W2, b2):
    src, dst = edge_index[0], edge_index[1]
    c = jnp.take(comm_emb, comm_ids, axis=0)
    x_cat = jnp.concatenate([x, c], axis=-1)
    h = jax.nn.relu(_gcn_conv(x_cat, src, dst, W1, b1, N_NODES))
    # dropout is identity in eval mode
    out = _gcn_conv(h, src, dst, W2, b2, N_NODES)
    return out

if __name__ == "__main__":
    import jax
    _d = setup_inputs()
    print(jax.jit(kernel)(*tuple(_d.values())))

</pallas_src>

<mosaic_0001>
#map = affine_map<(d0, d1) -> (0, 0)>
#map1 = affine_map<(d0, d1) -> (0)>
#map2 = affine_map<(d0, d1) -> (0, 0, 0)>
module attributes {stable_mosaic.version = 14 : i64} {
  func.func @_edge_body(%arg0: i32, %arg1: i32, %arg2: memref<10240x128xf32, #tpu.memory_space<hbm>>, %arg3: memref<320000xi32, #tpu.memory_space<hbm>>, %arg4: memref<320000xi32, #tpu.memory_space<hbm>>, %arg5: memref<640x128xf32, #tpu.memory_space<hbm>>, %arg6: memref<2x10240x128xf32, #tpu.memory_space<hbm>>, %arg7: memref<80xi32, #tpu.memory_space<vmem>>, %arg8: memref<80xi32, #tpu.memory_space<vmem>>, %arg9: memref<80x128xf32, #tpu.memory_space<vmem>>, %arg10: memref<10240x128xf32, #tpu.memory_space<vmem_shared>>, %arg11: memref<!tpu.dma_semaphore, #tpu.memory_space<semaphore_mem>>) attributes {dimension_semantics = [#tpu.dimension_semantics<core_parallel>, #tpu.dimension_semantics<subcore_parallel>], iteration_bounds = array<i64: 2, 16>, scalar_prefetch = 0 : i64, scratch_operands = 5 : i64, tpu.core_type = #tpu.core_type<sc_vector_subcore>, window_params = [{transform_indices = #map}, {transform_indices = #map1}, {transform_indices = #map1}, {transform_indices = #map}, {transform_indices = #map2}]} {
    %mul3A = arith.constant 640 : i32
    %mul3A_0 = arith.muli %arg1, %mul3A : i32
    "tpu.region"() ({
      %run_scoped3A = tpu.sem_alloc : memref<!tpu.dma_semaphore, #tpu.memory_space<semaphore_mem>>
      %dma_start3A = arith.constant 0 : i32
      %dma_start3A_16 = tpu.memref_slice %arg10[%mul3A_0, %dma_start3A] : memref<10240x128xf32, #tpu.memory_space<vmem_shared>> -> memref<640x128xf32, #tpu.memory_space<vmem_shared>>
      tpu.enqueue_dma source(%arg5 : memref<640x128xf32, #tpu.memory_space<hbm>>) target(%dma_start3A_16 : memref<640x128xf32, #tpu.memory_space<vmem_shared>>) target_semaphore(%run_scoped3A : memref<!tpu.dma_semaphore, #tpu.memory_space<semaphore_mem>>)
      %dma_wait3A = arith.constant 0 : i32
      %dma_wait3A_17 = tpu.memref_slice %arg10[%mul3A_0, %dma_wait3A] : memref<10240x128xf32, #tpu.memory_space<vmem_shared>> -> memref<640x128xf32, #tpu.memory_space<vmem_shared>>
      tpu.wait_dma2 semaphore(%run_scoped3A : memref<!tpu.dma_semaphore, #tpu.memory_space<semaphore_mem>>) src(%arg5 : memref<640x128xf32, #tpu.memory_space<hbm>>) dst(%dma_wait3A_17 : memref<640x128xf32, #tpu.memory_space<vmem_shared>>)
      tpu.yield
    }) : () -> ()
    %barrier3A = arith.constant 0 : index
    tpu.barrier barrier_id(%barrier3A)
    %mul3A_1 = arith.constant 160000 : i32
    %mul3A_2 = arith.muli %arg0, %mul3A_1 : i32
    %mul3A_3 = arith.constant 10000 : i32
    %mul3A_4 = arith.muli %arg1, %mul3A_3 : i32
    %add3A = arith.addi %mul3A_2, %mul3A_4 : i32
    %scan3A = arith.constant 0 : i32
    %scan3A_5 = arith.constant 0 : i32
    %scan3A_6 = arith.constant 125 : i32
    %scan3A_7 = arith.addi %scan3A_5, %scan3A_6 : i32
    %scan3A_8 = arith.constant 1 : i32
    %scan3A_9 = scf.for %scan3A_16 = %scan3A_5 to %scan3A_7 step %scan3A_8 iter_args(%scan3A_17 = %scan3A) -> (i32)  : i32 {
      %mul3A_18 = arith.constant 80 : i32
      %mul3A_19 = arith.muli %scan3A_16, %mul3A_18 : i32
      %add3A_20 = arith.addi %add3A, %mul3A_19 : i32
      "tpu.region"() ({
        %run_scoped3A = tpu.sem_alloc : memref<!tpu.dma_semaphore, #tpu.memory_space<semaphore_mem>>
        %dma_start3A_26 = tpu.memref_slice %arg3[%add3A_20] : memref<320000xi32, #tpu.memory_space<hbm>> -> memref<80xi32, #tpu.memory_space<hbm>>
        %dma_start3A_27 = tpu.memref_slice %arg3[%add3A_20] : memref<320000xi32, #tpu.memory_space<hbm>> -> memref<80xi32, #tpu.memory_space<hbm>>
        tpu.enqueue_dma source(%dma_start3A_27 : memref<80xi32, #tpu.memory_space<hbm>>) target(%arg7 : memref<80xi32, #tpu.memory_space<vmem>>) target_semaphore(%run_scoped3A : memref<!tpu.dma_semaphore, #tpu.memory_space<semaphore_mem>>)
        %dma_wait3A_28 = tpu.memref_slice %arg3[%add3A_20] : memref<320000xi32, #tpu.memory_space<hbm>> -> memref<80xi32, #tpu.memory_space<hbm>>
        %dma_wait3A_29 = tpu.memref_slice %arg3[%add3A_20] : memref<320000xi32, #tpu.memory_space<hbm>> -> memref<80xi32, #tpu.memory_space<hbm>>
        tpu.wait_dma2 semaphore(%run_scoped3A : memref<!tpu.dma_semaphore, #tpu.memory_space<semaphore_mem>>) src(%dma_wait3A_29 : memref<80xi32, #tpu.memory_space<hbm>>) dst(%arg7 : memref<80xi32, #tpu.memory_space<vmem>>)
        tpu.yield
      }) : () -> ()
      "tpu.region"() ({
        %run_scoped3A = tpu.sem_alloc : memref<!tpu.dma_semaphore, #tpu.memory_space<semaphore_mem>>
        %dma_start3A_26 = tpu.memref_slice %arg4[%add3A_20] : memref<320000xi32, #tpu.memory_space<hbm>> -> memref<80xi32, #tpu.memory_space<hbm>>
        %dma_start3A_27 = tpu.memref_slice %arg4[%add3A_20] : memref<320000xi32, #tpu.memory_space<hbm>> -> memref<80xi32, #tpu.memory_space<hbm>>
        tpu.enqueue_dma source(%dma_start3A_27 : memref<80xi32, #tpu.memory_space<hbm>>) target(%arg8 : memref<80xi32, #tpu.memory_space<vmem>>) target_semaphore(%run_scoped3A : memref<!tpu.dma_semaphore, #tpu.memory_space<semaphore_mem>>)
        %dma_wait3A_28 = tpu.memref_slice %arg4[%add3A_20] : memref<320000xi32, #tpu.memory_space<hbm>> -> memref<80xi32, #tpu.memory_space<hbm>>
        %dma_wait3A_29 = tpu.memref_slice %arg4[%add3A_20] : memref<320000xi32, #tpu.memory_space<hbm>> -> memref<80xi32, #tpu.memory_space<hbm>>
        tpu.wait_dma2 semaphore(%run_scoped3A : memref<!tpu.dma_semaphore, #tpu.memory_space<semaphore_mem>>) src(%dma_wait3A_29 : memref<80xi32, #tpu.memory_space<hbm>>) dst(%arg8 : memref<80xi32, #tpu.memory_space<vmem>>)
        tpu.yield
      }) : () -> ()
      %dma_start3A = arith.constant 0 : i32
      %dma_start3A_21 = arith.constant 0 : i32
      %dma_start3A_22 = tpu.memref_slice %arg2[%dma_start3A, %dma_start3A_21] : memref<10240x128xf32, #tpu.memory_space<hbm>> -> memref<10240x128xf32, #tpu.memory_space<hbm>>
      tpu.enqueue_indirect_dma source(%dma_start3A_22 : memref<10240x128xf32, #tpu.memory_space<hbm>>) target(%arg9 : memref<80x128xf32, #tpu.memory_space<vmem>>) offsets(%arg7 : memref<80xi32, #tpu.memory_space<vmem>>) semaphore(%arg11 : memref<!tpu.dma_semaphore, #tpu.memory_space<semaphore_mem>>)
      %dma_wait3A = arith.constant 0 : i32
      %dma_wait3A_23 = arith.constant 0 : i32
      %dma_wait3A_24 = tpu.memref_slice %arg2[%dma_wait3A, %dma_wait3A_23] : memref<10240x128xf32, #tpu.memory_space<hbm>> -> memref<10240x128xf32, #tpu.memory_space<hbm>>
      tpu.wait_indirect_dma semaphore(%arg11 : memref<!tpu.dma_semaphore, #tpu.memory_space<semaphore_mem>>) src(%dma_wait3A_24 : memref<10240x128xf32, #tpu.memory_space<hbm>>) dst(%arg9 : memref<80x128xf32, #tpu.memory_space<vmem>>)
      "tpu.region"() ({
        %run_scoped3A = tpu.sem_alloc : memref<!tpu.dma_semaphore, #tpu.memory_space<semaphore_mem>>
        %dma_start3A_26 = arith.constant 0 : i32
        %dma_start3A_27 = arith.constant 0 : i32
        %dma_start3A_28 = tpu.memref_slice %arg10[%dma_start3A_26, %dma_start3A_27] : memref<10240x128xf32, #tpu.memory_space<vmem_shared>> -> memref<10240x128xf32, #tpu.memory_space<vmem_shared>>
        tpu.enqueue_indirect_dma source(%arg9 : memref<80x128xf32, #tpu.memory_space<vmem>>) target(%dma_start3A_28 : memref<10240x128xf32, #tpu.memory_space<vmem_shared>>) offsets(%arg8 : memref<80xi32, #tpu.memory_space<vmem>>) semaphore(%run_scoped3A : memref<!tpu.dma_semaphore, #tpu.memory_space<semaphore_mem>>) {add = true}
        %dma_wait3A_29 = arith.constant 0 : i32
        %dma_wait3A_30 = arith.constant 0 : i32
        %dma_wait3A_31 = tpu.memref_slice %arg10[%dma_wait3A_29, %dma_wait3A_30] : memref<10240x128xf32, #tpu.memory_space<vmem_shared>> -> memref<10240x128xf32, #tpu.memory_space<vmem_shared>>
        tpu.wait_indirect_dma semaphore(%run_scoped3A : memref<!tpu.dma_semaphore, #tpu.memory_space<semaphore_mem>>) src(%arg9 : memref<80x128xf32, #tpu.memory_space<vmem>>) dst(%dma_wait3A_31 : memref<10240x128xf32, #tpu.memory_space<vmem_shared>>)
        tpu.yield
      }) : () -> ()
      %scan3A_25 = arith.constant 0 : i32
      scf.yield %scan3A_25 : i32
    }
    %scan3A_10 = arith.constant 125 : i32
    %barrier3A_11 = arith.constant 0 : index
    tpu.barrier barrier_id(%barrier3A_11)
    %mul3A_12 = arith.constant 640 : i32
    %mul3A_13 = arith.muli %arg1, %mul3A_12 : i32
    %mul3A_14 = arith.constant 640 : i32
    %mul3A_15 = arith.muli %arg1, %mul3A_14 : i32
    "tpu.region"() ({
      %run_scoped3A = tpu.sem_alloc : memref<!tpu.dma_semaphore, #tpu.memory_space<semaphore_mem>>
      %dma_start3A = arith.constant 0 : i32
      %dma_start3A_16 = tpu.memref_slice %arg6[%arg0, %mul3A_15, %dma_start3A] : memref<2x10240x128xf32, #tpu.memory_space<hbm>> -> memref<1x640x128xf32, #tpu.memory_space<hbm>>
      %dma_start3A_17 = tpu.memref_squeeze %dma_start3A_16 : memref<1x640x128xf32, #tpu.memory_space<hbm>> -> memref<640x128xf32, #tpu.memory_space<hbm>>
      %dma_start3A_18 = arith.constant 0 : i32
      %dma_start3A_19 = tpu.memref_slice %arg10[%mul3A_13, %dma_start3A_18] : memref<10240x128xf32, #tpu.memory_space<vmem_shared>> -> memref<640x128xf32, #tpu.memory_space<vmem_shared>>
      tpu.enqueue_dma source(%dma_start3A_19 : memref<640x128xf32, #tpu.memory_space<vmem_shared>>) target(%dma_start3A_17 : memref<640x128xf32, #tpu.memory_space<hbm>>) target_semaphore(%run_scoped3A : memref<!tpu.dma_semaphore, #tpu.memory_space<semaphore_mem>>)
      %dma_wait3A = arith.constant 0 : i32
      %dma_wait3A_20 = tpu.memref_slice %arg6[%arg0, %mul3A_15, %dma_wait3A] : memref<2x10240x128xf32, #tpu.memory_space<hbm>> -> memref<1x640x128xf32, #tpu.memory_space<hbm>>
      %dma_wait3A_21 = tpu.memref_squeeze %dma_wait3A_20 : memref<1x640x128xf32, #tpu.memory_space<hbm>> -> memref<640x128xf32, #tpu.memory_space<hbm>>
      %dma_wait3A_22 = arith.constant 0 : i32
      %dma_wait3A_23 = tpu.memref_slice %arg10[%mul3A_13, %dma_wait3A_22] : memref<10240x128xf32, #tpu.memory_space<vmem_shared>> -> memref<640x128xf32, #tpu.memory_space<vmem_shared>>
      tpu.wait_dma2 semaphore(%run_scoped3A : memref<!tpu.dma_semaphore, #tpu.memory_space<semaphore_mem>>) src(%dma_wait3A_23 : memref<640x128xf32, #tpu.memory_space<vmem_shared>>) dst(%dma_wait3A_21 : memref<640x128xf32, #tpu.memory_space<hbm>>)
      tpu.yield
    }) : () -> ()
    return
  }
}

#map = affine_map<(d0, d1) -> (0)>
#map1 = affine_map<(d0, d1) -> (0, 0)>
#map2 = affine_map<(d0, d1) -> (0, 0, 0)>
module attributes {stable_mosaic.version = 14 : i64} {
  func.func @_prep_body(%arg0: i32, %arg1: i32, %arg2: memref<320000xi32, #tpu.memory_space<hbm>>, %arg3: memref<10240xi32, #tpu.memory_space<hbm>>, %arg4: memref<1000x128xf32, #tpu.memory_space<hbm>>, %arg5: memref<80x16xf32, #tpu.memory_space<hbm>>, %arg6: memref<640x16xf32, #tpu.memory_space<hbm>>, %arg7: memref<2x10240x16xf32, #tpu.memory_space<hbm>>, %arg8: memref<10240x128xf32, #tpu.memory_space<hbm>>, %arg9: memref<80x16xf32, #tpu.memory_space<vmem>>, %arg10: memref<80xi32, #tpu.memory_space<vmem>>, %arg11: memref<80x128xf32, #tpu.memory_space<vmem>>, %arg12: memref<10240x16xf32, #tpu.memory_space<vmem_shared>>, %arg13: memref<!tpu.dma_semaphore, #tpu.memory_space<semaphore_mem>>) attributes {dimension_semantics = [#tpu.dimension_semantics<core_parallel>, #tpu.dimension_semantics<subcore_parallel>], iteration_bounds = array<i64: 2, 16>, scalar_prefetch = 0 : i64, scratch_operands = 5 : i64, tpu.core_type = #tpu.core_type<sc_vector_subcore>, window_params = [{transform_indices = #map}, {transform_indices = #map}, {transform_indices = #map1}, {transform_indices = #map1}, {transform_indices = #map1}, {transform_indices = #map2}, {transform_indices = #map1}]} {
    %mul3A = arith.constant 16 : i32
    %mul3A_0 = arith.muli %arg0, %mul3A : i32
    %add3A = arith.addi %mul3A_0, %arg1 : i32
    %mul3A_1 = arith.constant 640 : i32
    %mul3A_2 = arith.muli %arg1, %mul3A_1 : i32
    "tpu.region"() ({
      %run_scoped3A = tpu.sem_alloc : memref<!tpu.dma_semaphore, #tpu.memory_space<semaphore_mem>>
      %dma_start3A = arith.constant 0 : i32
      %dma_start3A_28 = tpu.memref_slice %arg12[%mul3A_2, %dma_start3A] : memref<10240x16xf32, #tpu.memory_space<vmem_shared>> -> memref<640x16xf32, #tpu.memory_space<vmem_shared>>
      tpu.enqueue_dma source(%arg6 : memref<640x16xf32, #tpu.memory_space<hbm>>) target(%dma_start3A_28 : memref<640x16xf32, #tpu.memory_space<vmem_shared>>) target_semaphore(%run_scoped3A : memref<!tpu.dma_semaphore, #tpu.memory_space<semaphore_mem>>)
      %dma_wait3A = arith.constant 0 : i32
      %dma_wait3A_29 = tpu.memref_slice %arg12[%mul3A_2, %dma_wait3A] : memref<10240x16xf32, #tpu.memory_space<vmem_shared>> -> memref<640x16xf32, #tpu.memory_space<vmem_shared>>
      tpu.wait_dma2 semaphore(%run_scoped3A : memref<!tpu.dma_semaphore, #tpu.memory_space<semaphore_mem>>) src(%arg6 : memref<640x16xf32, #tpu.memory_space<hbm>>) dst(%dma_wait3A_29 : memref<640x16xf32, #tpu.memory_space<vmem_shared>>)
      tpu.yield
    }) : () -> ()
    "tpu.region"() ({
      %run_scoped3A = tpu.sem_alloc : memref<!tpu.dma_semaphore, #tpu.memory_space<semaphore_mem>>
      tpu.enqueue_dma source(%arg5 : memref<80x16xf32, #tpu.memory_space<hbm>>) target(%arg9 : memref<80x16xf32, #tpu.memory_space<vmem>>) target_semaphore(%run_scoped3A : memref<!tpu.dma_semaphore, #tpu.memory_space<semaphore_mem>>)
      tpu.wait_dma2 semaphore(%run_scoped3A : memref<!tpu.dma_semaphore, #tpu.memory_space<semaphore_mem>>) src(%arg5 : memref<80x16xf32, #tpu.memory_space<hbm>>) dst(%arg9 : memref<80x16xf32, #tpu.memory_space<vmem>>)
      tpu.yield
    }) : () -> ()
    %barrier3A = arith.constant 0 : index
    tpu.barrier barrier_id(%barrier3A)
    %mul3A_3 = arith.constant 160000 : i32
    %mul3A_4 = arith.muli %arg0, %mul3A_3 : i32
    %mul3A_5 = arith.constant 10000 : i32
    %mul3A_6 = arith.muli %arg1, %mul3A_5 : i32
    %add3A_7 = arith.addi %mul3A_4, %mul3A_6 : i32
    %scan3A = arith.constant 0 : i32
    %scan3A_8 = arith.constant 0 : i32
    %scan3A_9 = arith.constant 125 : i32
    %scan3A_10 = arith.addi %scan3A_8, %scan3A_9 : i32
    %scan3A_11 = arith.constant 1 : i32
    %scan3A_12 = scf.for %scan3A_28 = %scan3A_8 to %scan3A_10 step %scan3A_11 iter_args(%scan3A_29 = %scan3A) -> (i32)  : i32 {
      %mul3A_30 = arith.constant 80 : i32
      %mul3A_31 = arith.muli %scan3A_28, %mul3A_30 : i32
      %add3A_32 = arith.addi %add3A_7, %mul3A_31 : i32
      "tpu.region"() ({
        %run_scoped3A = tpu.sem_alloc : memref<!tpu.dma_semaphore, #tpu.memory_space<semaphore_mem>>
        %dma_start3A = tpu.memref_slice %arg2[%add3A_32] : memref<320000xi32, #tpu.memory_space<hbm>> -> memref<80xi32, #tpu.memory_space<hbm>>
        %dma_start3A_34 = tpu.memref_slice %arg2[%add3A_32] : memref<320000xi32, #tpu.memory_space<hbm>> -> memref<80xi32, #tpu.memory_space<hbm>>
        tpu.enqueue_dma source(%dma_start3A_34 : memref<80xi32, #tpu.memory_space<hbm>>) target(%arg10 : memref<80xi32, #tpu.memory_space<vmem>>) target_semaphore(%run_scoped3A : memref<!tpu.dma_semaphore, #tpu.memory_space<semaphore_mem>>)
        %dma_wait3A = tpu.memref_slice %arg2[%add3A_32] : memref<320000xi32, #tpu.memory_space<hbm>> -> memref<80xi32, #tpu.memory_space<hbm>>
        %dma_wait3A_35 = tpu.memref_slice %arg2[%add3A_32] : memref<320000xi32, #tpu.memory_space<hbm>> -> memref<80xi32, #tpu.memory_space<hbm>>
        tpu.wait_dma2 semaphore(%run_scoped3A : memref<!tpu.dma_semaphore, #tpu.memory_space<semaphore_mem>>) src(%dma_wait3A_35 : memref<80xi32, #tpu.memory_space<hbm>>) dst(%arg10 : memref<80xi32, #tpu.memory_space<vmem>>)
        tpu.yield
      }) : () -> ()
      "tpu.region"() ({
        %run_scoped3A = tpu.sem_alloc : memref<!tpu.dma_semaphore, #tpu.memory_space<semaphore_mem>>
        %dma_start3A = arith.constant 0 : i32
        %dma_start3A_34 = arith.constant 0 : i32
        %dma_start3A_35 = tpu.memref_slice %arg12[%dma_start3A, %dma_start3A_34] : memref<10240x16xf32, #tpu.memory_space<vmem_shared>> -> memref<10240x16xf32, #tpu.memory_space<vmem_shared>>
        tpu.enqueue_indirect_dma source(%arg9 : memref<80x16xf32, #tpu.memory_space<vmem>>) target(%dma_start3A_35 : memref<10240x16xf32, #tpu.memory_space<vmem_shared>>) offsets(%arg10 : memref<80xi32, #tpu.memory_space<vmem>>) semaphore(%run_scoped3A : memref<!tpu.dma_semaphore, #tpu.memory_space<semaphore_mem>>) {add = true}
        %dma_wait3A = arith.constant 0 : i32
        %dma_wait3A_36 = arith.constant 0 : i32
        %dma_wait3A_37 = tpu.memref_slice %arg12[%dma_wait3A, %dma_wait3A_36] : memref<10240x16xf32, #tpu.memory_space<vmem_shared>> -> memref<10240x16xf32, #tpu.memory_space<vmem_shared>>
        tpu.wait_indirect_dma semaphore(%run_scoped3A : memref<!tpu.dma_semaphore, #tpu.memory_space<semaphore_mem>>) src(%arg9 : memref<80x16xf32, #tpu.memory_space<vmem>>) dst(%dma_wait3A_37 : memref<10240x16xf32, #tpu.memory_space<vmem_shared>>)
        tpu.yield
      }) : () -> ()
      %scan3A_33 = arith.constant 0 : i32
      scf.yield %scan3A_33 : i32
    }
    %scan3A_13 = arith.constant 125 : i32
    %mul3A_14 = arith.constant 320 : i32
    %mul3A_15 = arith.muli %add3A, %mul3A_14 : i32
    %scan3A_16 = arith.constant 0 : i32
    %scan3A_17 = arith.constant 0 : i32
    %scan3A_18 = arith.constant 4 : i32
    %scan3A_19 = arith.addi %scan3A_17, %scan3A_18 : i32
    %scan3A_20 = arith.constant 1 : i32
    %scan3A_21 = scf.for %scan3A_28 = %scan3A_17 to %scan3A_19 step %scan3A_20 iter_args(%scan3A_29 = %scan3A_16) -> (i32)  : i32 {
      %mul3A_30 = arith.constant 80 : i32
      %mul3A_31 = arith.muli %scan3A_28, %mul3A_30 : i32
      %add3A_32 = arith.addi %mul3A_15, %mul3A_31 : i32
      "tpu.region"() ({
        %run_scoped3A = tpu.sem_alloc : memref<!tpu.dma_semaphore, #tpu.memory_space<semaphore_mem>>
        %dma_start3A_38 = tpu.memref_slice %arg3[%add3A_32] : memref<10240xi32, #tpu.memory_space<hbm>> -> memref<80xi32, #tpu.memory_space<hbm>>
        %dma_start3A_39 = tpu.memref_slice %arg3[%add3A_32] : memref<10240xi32, #tpu.memory_space<hbm>> -> memref<80xi32, #tpu.memory_space<hbm>>
        tpu.enqueue_dma source(%dma_start3A_39 : memref<80xi32, #tpu.memory_space<hbm>>) target(%arg10 : memref<80xi32, #tpu.memory_space<vmem>>) target_semaphore(%run_scoped3A : memref<!tpu.dma_semaphore, #tpu.memory_space<semaphore_mem>>)
        %dma_wait3A_40 = tpu.memref_slice %arg3[%add3A_32] : memref<10240xi32, #tpu.memory_space<hbm>> -> memref<80xi32, #tpu.memory_space<hbm>>
        %dma_wait3A_41 = tpu.memref_slice %arg3[%add3A_32] : memref<10240xi32, #tpu.memory_space<hbm>> -> memref<80xi32, #tpu.memory_space<hbm>>
        tpu.wait_dma2 semaphore(%run_scoped3A : memref<!tpu.dma_semaphore, #tpu.memory_space<semaphore_mem>>) src(%dma_wait3A_41 : memref<80xi32, #tpu.memory_space<hbm>>) dst(%arg10 : memref<80xi32, #tpu.memory_space<vmem>>)
        tpu.yield
      }) : () -> ()
      %dma_start3A = arith.constant 0 : i32
      %dma_start3A_33 = arith.constant 0 : i32
      %dma_start3A_34 = tpu.memref_slice %arg4[%dma_start3A, %dma_start3A_33] : memref<1000x128xf32, #tpu.memory_space<hbm>> -> memref<1000x128xf32, #tpu.memory_space<hbm>>
      tpu.enqueue_indirect_dma source(%dma_start3A_34 : memref<1000x128xf32, #tpu.memory_space<hbm>>) target(%arg11 : memref<80x128xf32, #tpu.memory_space<vmem>>) offsets(%arg10 : memref<80xi32, #tpu.memory_space<vmem>>) semaphore(%arg13 : memref<!tpu.dma_semaphore, #tpu.memory_space<semaphore_mem>>)
      %dma_wait3A = arith.constant 0 : i32
      %dma_wait3A_35 = arith.constant 0 : i32
      %dma_wait3A_36 = tpu.memref_slice %arg4[%dma_wait3A, %dma_wait3A_35] : memref<1000x128xf32, #tpu.memory_space<hbm>> -> memref<1000x128xf32, #tpu.memory_space<hbm>>
      tpu.wait_indirect_dma semaphore(%arg13 : memref<!tpu.dma_semaphore, #tpu.memory_space<semaphore_mem>>) src(%dma_wait3A_36 : memref<1000x128xf32, #tpu.memory_space<hbm>>) dst(%arg11 : memref<80x128xf32, #tpu.memory_space<vmem>>)
      "tpu.region"() ({
        %run_scoped3A = tpu.sem_alloc : memref<!tpu.dma_semaphore, #tpu.memory_space<semaphore_mem>>
        %dma_start3A_38 = arith.constant 0 : i32
        %dma_start3A_39 = tpu.memref_slice %arg8[%add3A_32, %dma_start3A_38] : memref<10240x128xf32, #tpu.memory_space<hbm>> -> memref<80x128xf32, #tpu.memory_space<hbm>>
        %dma_start3A_40 = arith.constant 0 : i32
        %dma_start3A_41 = tpu.memref_slice %arg8[%add3A_32, %dma_start3A_40] : memref<10240x128xf32, #tpu.memory_space<hbm>> -> memref<80x128xf32, #tpu.memory_space<hbm>>
        tpu.enqueue_dma source(%arg11 : memref<80x128xf32, #tpu.memory_space<vmem>>) target(%dma_start3A_41 : memref<80x128xf32, #tpu.memory_space<hbm>>) target_semaphore(%run_scoped3A : memref<!tpu.dma_semaphore, #tpu.memory_space<semaphore_mem>>)
        %dma_wait3A_42 = arith.constant 0 : i32
        %dma_wait3A_43 = tpu.memref_slice %arg8[%add3A_32, %dma_wait3A_42] : memref<10240x128xf32, #tpu.memory_space<hbm>> -> memref<80x128xf32, #tpu.memory_space<hbm>>
        %dma_wait3A_44 = arith.constant 0 : i32
        %dma_wait3A_45 = tpu.memref_slice %arg8[%add3A_32, %dma_wait3A_44] : memref<10240x128xf32, #tpu.memory_space<hbm>> -> memref<80x128xf32, #tpu.memory_space<hbm>>
        tpu.wait_dma2 semaphore(%run_scoped3A : memref<!tpu.dma_semaphore, #tpu.memory_space<semaphore_mem>>) src(%arg11 : memref<80x128xf32, #tpu.memory_space<vmem>>) dst(%dma_wait3A_45 : memref<80x128xf32, #tpu.memory_space<hbm>>)
        tpu.yield
      }) : () -> ()
      %scan3A_37 = arith.constant 0 : i32
      scf.yield %scan3A_37 : i32
    }
    %scan3A_22 = arith.constant 4 : i32
    %barrier3A_23 = arith.constant 0 : index
    tpu.barrier barrier_id(%barrier3A_23)
    %mul3A_24 = arith.constant 640 : i32
    %mul3A_25 = arith.muli %arg1, %mul3A_24 : i32
    %mul3A_26 = arith.constant 640 : i32
    %mul3A_27 = arith.muli %arg1, %mul3A_26 : i32
    "tpu.region"() ({
      %run_scoped3A = tpu.sem_alloc : memref<!tpu.dma_semaphore, #tpu.memory_space<semaphore_mem>>
      %dma_start3A = arith.constant 0 : i32
      %dma_start3A_28 = tpu.memref_slice %arg7[%arg0, %mul3A_27, %dma_start3A] : memref<2x10240x16xf32, #tpu.memory_space<hbm>> -> memref<1x640x16xf32, #tpu.memory_space<hbm>>
      %dma_start3A_29 = tpu.memref_squeeze %dma_start3A_28 : memref<1x640x16xf32, #tpu.memory_space<hbm>> -> memref<640x16xf32, #tpu.memory_space<hbm>>
      %dma_start3A_30 = arith.constant 0 : i32
      %dma_start3A_31 = tpu.memref_slice %arg12[%mul3A_25, %dma_start3A_30] : memref<10240x16xf32, #tpu.memory_space<vmem_shared>> -> memref<640x16xf32, #tpu.memory_space<vmem_shared>>
      tpu.enqueue_dma source(%dma_start3A_31 : memref<640x16xf32, #tpu.memory_space<vmem_shared>>) target(%dma_start3A_29 : memref<640x16xf32, #tpu.memory_space<hbm>>) target_semaphore(%run_scoped3A : memref<!tpu.dma_semaphore, #tpu.memory_space<semaphore_mem>>)
      %dma_wait3A = arith.constant 0 : i32
      %dma_wait3A_32 = tpu.memref_slice %arg7[%arg0, %mul3A_27, %dma_wait3A] : memref<2x10240x16xf32, #tpu.memory_space<hbm>> -> memref<1x640x16xf32, #tpu.memory_space<hbm>>
      %dma_wait3A_33 = tpu.memref_squeeze %dma_wait3A_32 : memref<1x640x16xf32, #tpu.memory_space<hbm>> -> memref<640x16xf32, #tpu.memory_space<hbm>>
      %dma_wait3A_34 = arith.constant 0 : i32
      %dma_wait3A_35 = tpu.memref_slice %arg12[%mul3A_25, %dma_wait3A_34] : memref<10240x16xf32, #tpu.memory_space<vmem_shared>> -> memref<640x16xf32, #tpu.memory_space<vmem_shared>>
      tpu.wait_dma2 semaphore(%run_scoped3A : memref<!tpu.dma_semaphore, #tpu.memory_space<semaphore_mem>>) src(%dma_wait3A_35 : memref<640x16xf32, #tpu.memory_space<vmem_shared>>) dst(%dma_wait3A_33 : memref<640x16xf32, #tpu.memory_space<hbm>>)
      tpu.yield
    }) : () -> ()
    return
  }
}

#map = affine_map<(d0, d1) -> (0, 0)>
#map1 = affine_map<(d0, d1) -> (0)>
#map2 = affine_map<(d0, d1) -> (0, 0, 0)>
module attributes {stable_mosaic.version = 14 : i64} {
  func.func @_edge_body(%arg0: i32, %arg1: i32, %arg2: memref<10240x128xf32, #tpu.memory_space<hbm>>, %arg3: memref<320000xi32, #tpu.memory_space<hbm>>, %arg4: memref<320000xi32, #tpu.memory_space<hbm>>, %arg5: memref<640x128xf32, #tpu.memory_space<hbm>>, %arg6: memref<2x10240x128xf32, #tpu.memory_space<hbm>>, %arg7: memref<80xi32, #tpu.memory_space<vmem>>, %arg8: memref<80xi32, #tpu.memory_space<vmem>>, %arg9: memref<80x128xf32, #tpu.memory_space<vmem>>, %arg10: memref<10240x128xf32, #tpu.memory_space<vmem_shared>>, %arg11: memref<!tpu.dma_semaphore, #tpu.memory_space<semaphore_mem>>) attributes {dimension_semantics = [#tpu.dimension_semantics<core_parallel>, #tpu.dimension_semantics<subcore_parallel>], iteration_bounds = array<i64: 2, 16>, scalar_prefetch = 0 : i64, scratch_operands = 5 : i64, tpu.core_type = #tpu.core_type<sc_vector_subcore>, window_params = [{transform_indices = #map}, {transform_indices = #map1}, {transform_indices = #map1}, {transform_indices = #map}, {transform_indices = #map2}]} {
    %mul3A = arith.constant 640 : i32
    %mul3A_0 = arith.muli %arg1, %mul3A : i32
    "tpu.region"() ({
      %run_scoped3A = tpu.sem_alloc : memref<!tpu.dma_semaphore, #tpu.memory_space<semaphore_mem>>
      %dma_start3A = arith.constant 0 : i32
      %dma_start3A_16 = tpu.memref_slice %arg10[%mul3A_0, %dma_start3A] : memref<10240x128xf32, #tpu.memory_space<vmem_shared>> -> memref<640x128xf32, #tpu.memory_space<vmem_shared>>
      tpu.enqueue_dma source(%arg5 : memref<640x128xf32, #tpu.memory_space<hbm>>) target(%dma_start3A_16 : memref<640x128xf32, #tpu.memory_space<vmem_shared>>) target_semaphore(%run_scoped3A : memref<!tpu.dma_semaphore, #tpu.memory_space<semaphore_mem>>)
      %dma_wait3A = arith.constant 0 : i32
      %dma_wait3A_17 = tpu.memref_slice %arg10[%mul3A_0, %dma_wait3A] : memref<10240x128xf32, #tpu.memory_space<vmem_shared>> -> memref<640x128xf32, #tpu.memory_space<vmem_shared>>
      tpu.wait_dma2 semaphore(%run_scoped3A : memref<!tpu.dma_semaphore, #tpu.memory_space<semaphore_mem>>) src(%arg5 : memref<640x128xf32, #tpu.memory_space<hbm>>) dst(%dma_wait3A_17 : memref<640x128xf32, #tpu.memory_space<vmem_shared>>)
      tpu.yield
    }) : () -> ()
    %barrier3A = arith.constant 0 : index
    tpu.barrier barrier_id(%barrier3A)
    %mul3A_1 = arith.constant 160000 : i32
    %mul3A_2 = arith.muli %arg0, %mul3A_1 : i32
    %mul3A_3 = arith.constant 10000 : i32
    %mul3A_4 = arith.muli %arg1, %mul3A_3 : i32
    %add3A = arith.addi %mul3A_2, %mul3A_4 : i32
    %scan3A = arith.constant 0 : i32
    %scan3A_5 = arith.constant 0 : i32
    %scan3A_6 = arith.constant 125 : i32
    %scan3A_7 = arith.addi %scan3A_5, %scan3A_6 : i32
    %scan3A_8 = arith.constant 1 : i32
    %scan3A_9 = scf.for %scan3A_16 = %scan3A_5 to %scan3A_7 step %scan3A_8 iter_args(%scan3A_17 = %scan3A) -> (i32)  : i32 {
      %mul3A_18 = arith.constant 80 : i32
      %mul3A_19 = arith.muli %scan3A_16, %mul3A_18 : i32
      %add3A_20 = arith.addi %add3A, %mul3A_19 : i32
      "tpu.region"() ({
        %run_scoped3A = tpu.sem_alloc : memref<!tpu.dma_semaphore, #tpu.memory_space<semaphore_mem>>
        %dma_start3A_26 = tpu.memref_slice %arg3[%add3A_20] : memref<320000xi32, #tpu.memory_space<hbm>> -> memref<80xi32, #tpu.memory_space<hbm>>
        %dma_start3A_27 = tpu.memref_slice %arg3[%add3A_20] : memref<320000xi32, #tpu.memory_space<hbm>> -> memref<80xi32, #tpu.memory_space<hbm>>
        tpu.enqueue_dma source(%dma_start3A_27 : memref<80xi32, #tpu.memory_space<hbm>>) target(%arg7 : memref<80xi32, #tpu.memory_space<vmem>>) target_semaphore(%run_scoped3A : memref<!tpu.dma_semaphore, #tpu.memory_space<semaphore_mem>>)
        %dma_wait3A_28 = tpu.memref_slice %arg3[%add3A_20] : memref<320000xi32, #tpu.memory_space<hbm>> -> memref<80xi32, #tpu.memory_space<hbm>>
        %dma_wait3A_29 = tpu.memref_slice %arg3[%add3A_20] : memref<320000xi32, #tpu.memory_space<hbm>> -> memref<80xi32, #tpu.memory_space<hbm>>
        tpu.wait_dma2 semaphore(%run_scoped3A : memref<!tpu.dma_semaphore, #tpu.memory_space<semaphore_mem>>) src(%dma_wait3A_29 : memref<80xi32, #tpu.memory_space<hbm>>) dst(%arg7 : memref<80xi32, #tpu.memory_space<vmem>>)
        tpu.yield
      }) : () -> ()
      "tpu.region"() ({
        %run_scoped3A = tpu.sem_alloc : memref<!tpu.dma_semaphore, #tpu.memory_space<semaphore_mem>>
        %dma_start3A_26 = tpu.memref_slice %arg4[%add3A_20] : memref<320000xi32, #tpu.memory_space<hbm>> -> memref<80xi32, #tpu.memory_space<hbm>>
        %dma_start3A_27 = tpu.memref_slice %arg4[%add3A_20] : memref<320000xi32, #tpu.memory_space<hbm>> -> memref<80xi32, #tpu.memory_space<hbm>>
        tpu.enqueue_dma source(%dma_start3A_27 : memref<80xi32, #tpu.memory_space<hbm>>) target(%arg8 : memref<80xi32, #tpu.memory_space<vmem>>) target_semaphore(%run_scoped3A : memref<!tpu.dma_semaphore, #tpu.memory_space<semaphore_mem>>)
        %dma_wait3A_28 = tpu.memref_slice %arg4[%add3A_20] : memref<320000xi32, #tpu.memory_space<hbm>> -> memref<80xi32, #tpu.memory_space<hbm>>
        %dma_wait3A_29 = tpu.memref_slice %arg4[%add3A_20] : memref<320000xi32, #tpu.memory_space<hbm>> -> memref<80xi32, #tpu.memory_space<hbm>>
        tpu.wait_dma2 semaphore(%run_scoped3A : memref<!tpu.dma_semaphore, #tpu.memory_space<semaphore_mem>>) src(%dma_wait3A_29 : memref<80xi32, #tpu.memory_space<hbm>>) dst(%arg8 : memref<80xi32, #tpu.memory_space<vmem>>)
        tpu.yield
      }) : () -> ()
      %dma_start3A = arith.constant 0 : i32
      %dma_start3A_21 = arith.constant 0 : i32
      %dma_start3A_22 = tpu.memref_slice %arg2[%dma_start3A, %dma_start3A_21] : memref<10240x128xf32, #tpu.memory_space<hbm>> -> memref<10240x128xf32, #tpu.memory_space<hbm>>
      tpu.enqueue_indirect_dma source(%dma_start3A_22 : memref<10240x128xf32, #tpu.memory_space<hbm>>) target(%arg9 : memref<80x128xf32, #tpu.memory_space<vmem>>) offsets(%arg7 : memref<80xi32, #tpu.memory_space<vmem>>) semaphore(%arg11 : memref<!tpu.dma_semaphore, #tpu.memory_space<semaphore_mem>>)
      %dma_wait3A = arith.constant 0 : i32
      %dma_wait3A_23 = arith.constant 0 : i32
      %dma_wait3A_24 = tpu.memref_slice %arg2[%dma_wait3A, %dma_wait3A_23] : memref<10240x128xf32, #tpu.memory_space<hbm>> -> memref<10240x128xf32, #tpu.memory_space<hbm>>
      tpu.wait_indirect_dma semaphore(%arg11 : memref<!tpu.dma_semaphore, #tpu.memory_space<semaphore_mem>>) src(%dma_wait3A_24 : memref<10240x128xf32, #tpu.memory_space<hbm>>) dst(%arg9 : memref<80x128xf32, #tpu.memory_space<vmem>>)
      "tpu.region"() ({
        %run_scoped3A = tpu.sem_alloc : memref<!tpu.dma_semaphore, #tpu.memory_space<semaphore_mem>>
        %dma_start3A_26 = arith.constant 0 : i32
        %dma_start3A_27 = arith.constant 0 : i32
        %dma_start3A_28 = tpu.memref_slice %arg10[%dma_start3A_26, %dma_start3A_27] : memref<10240x128xf32, #tpu.memory_space<vmem_shared>> -> memref<10240x128xf32, #tpu.memory_space<vmem_shared>>
        tpu.enqueue_indirect_dma source(%arg9 : memref<80x128xf32, #tpu.memory_space<vmem>>) target(%dma_start3A_28 : memref<10240x128xf32, #tpu.memory_space<vmem_shared>>) offsets(%arg8 : memref<80xi32, #tpu.memory_space<vmem>>) semaphore(%run_scoped3A : memref<!tpu.dma_semaphore, #tpu.memory_space<semaphore_mem>>) {add = true}
        %dma_wait3A_29 = arith.constant 0 : i32
        %dma_wait3A_30 = arith.constant 0 : i32
        %dma_wait3A_31 = tpu.memref_slice %arg10[%dma_wait3A_29, %dma_wait3A_30] : memref<10240x128xf32, #tpu.memory_space<vmem_shared>> -> memref<10240x128xf32, #tpu.memory_space<vmem_shared>>
        tpu.wait_indirect_dma semaphore(%run_scoped3A : memref<!tpu.dma_semaphore, #tpu.memory_space<semaphore_mem>>) src(%arg9 : memref<80x128xf32, #tpu.memory_space<vmem>>) dst(%dma_wait3A_31 : memref<10240x128xf32, #tpu.memory_space<vmem_shared>>)
        tpu.yield
      }) : () -> ()
      %scan3A_25 = arith.constant 0 : i32
      scf.yield %scan3A_25 : i32
    }
    %scan3A_10 = arith.constant 125 : i32
    %barrier3A_11 = arith.constant 0 : index
    tpu.barrier barrier_id(%barrier3A_11)
    %mul3A_12 = arith.constant 640 : i32
    %mul3A_13 = arith.muli %arg1, %mul3A_12 : i32
    %mul3A_14 = arith.constant 640 : i32
    %mul3A_15 = arith.muli %arg1, %mul3A_14 : i32
    "tpu.region"() ({
      %run_scoped3A = tpu.sem_alloc : memref<!tpu.dma_semaphore, #tpu.memory_space<semaphore_mem>>
      %dma_start3A = arith.constant 0 : i32
      %dma_start3A_16 = tpu.memref_slice %arg6[%arg0, %mul3A_15, %dma_start3A] : memref<2x10240x128xf32, #tpu.memory_space<hbm>> -> memref<1x640x128xf32, #tpu.memory_space<hbm>>
      %dma_start3A_17 = tpu.memref_squeeze %dma_start3A_16 : memref<1x640x128xf32, #tpu.memory_space<hbm>> -> memref<640x128xf32, #tpu.memory_space<hbm>>
      %dma_start3A_18 = arith.constant 0 : i32
      %dma_start3A_19 = tpu.memref_slice %arg10[%mul3A_13, %dma_start3A_18] : memref<10240x128xf32, #tpu.memory_space<vmem_shared>> -> memref<640x128xf32, #tpu.memory_space<vmem_shared>>
      tpu.enqueue_dma source(%dma_start3A_19 : memref<640x128xf32, #tpu.memory_space<vmem_shared>>) target(%dma_start3A_17 : memref<640x128xf32, #tpu.memory_space<hbm>>) target_semaphore(%run_scoped3A : memref<!tpu.dma_semaphore, #tpu.memory_space<semaphore_mem>>)
      %dma_wait3A = arith.constant 0 : i32
      %dma_wait3A_20 = tpu.memref_slice %arg6[%arg0, %mul3A_15, %dma_wait3A] : memref<2x10240x128xf32, #tpu.memory_space<hbm>> -> memref<1x640x128xf32, #tpu.memory_space<hbm>>
      %dma_wait3A_21 = tpu.memref_squeeze %dma_wait3A_20 : memref<1x640x128xf32, #tpu.memory_space<hbm>> -> memref<640x128xf32, #tpu.memory_space<hbm>>
      %dma_wait3A_22 = arith.constant 0 : i32
      %dma_wait3A_23 = tpu.memref_slice %arg10[%mul3A_13, %dma_wait3A_22] : memref<10240x128xf32, #tpu.memory_space<vmem_shared>> -> memref<640x128xf32, #tpu.memory_space<vmem_shared>>
      tpu.wait_dma2 semaphore(%run_scoped3A : memref<!tpu.dma_semaphore, #tpu.memory_space<semaphore_mem>>) src(%dma_wait3A_23 : memref<640x128xf32, #tpu.memory_space<vmem_shared>>) dst(%dma_wait3A_21 : memref<640x128xf32, #tpu.memory_space<hbm>>)
      tpu.yield
    }) : () -> ()
    return
  }
}

module attributes {stable_mosaic.version = 14 : i64} {
  func.func @_tc1_body(%arg0: memref<10000x128xf32, #tpu.memory_space<vmem>>, %arg1: memref<10240x128xf32, #tpu.memory_space<vmem>>, %arg2: memref<136x128xf32, #tpu.memory_space<vmem>>, %arg3: memref<2x10240x16xf32, #tpu.memory_space<vmem>>, %arg4: memref<10240x128xf32, #tpu.memory_space<vmem>>) attributes {dimension_semantics = [], scalar_prefetch = 0 : i64, scratch_operands = 0 : i64, tpu.core_type = #tpu.core_type<tc>} {
    %get3A = arith.constant 0 : index
    %get3A_0 = arith.constant 0 : index
    %get3A_1 = arith.constant 0 : index
    %get3A_2 = vector.load %arg3[%get3A, %get3A_0, %get3A_1] : memref<2x10240x16xf32, #tpu.memory_space<vmem>>, vector<1x10000x1xf32>
    %get3A_3 = vector.shape_cast %get3A_2 : vector<1x10000x1xf32> to vector<10000x1xf32>
    %get3A_4 = arith.constant 1 : index
    %get3A_5 = arith.constant 0 : index
    %get3A_6 = arith.constant 0 : index
    %get3A_7 = vector.load %arg3[%get3A_4, %get3A_5, %get3A_6] : memref<2x10240x16xf32, #tpu.memory_space<vmem>>, vector<1x10000x1xf32>
    %get3A_8 = vector.shape_cast %get3A_7 : vector<1x10000x1xf32> to vector<10000x1xf32>
    %add3A = arith.addf %get3A_3, %get3A_8 : vector<10000x1xf32>
    %rsqrt3A = math.rsqrt %add3A : vector<10000x1xf32>
    %get3A_9 = arith.constant 0 : index
    %get3A_10 = arith.constant 0 : index
    %get3A_11 = vector.load %arg0[%get3A_9, %get3A_10] : memref<10000x128xf32, #tpu.memory_space<vmem>>, vector<10000x128xf32>
    %get3A_12 = arith.constant 0 : index
    %get3A_13 = arith.constant 0 : index
    %get3A_14 = vector.load %arg2[%get3A_12, %get3A_13] : memref<136x128xf32, #tpu.memory_space<vmem>>, vector<128x128xf32>
    %dot_general3A = arith.constant dense<0.000000e+00> : vector<10000x128xf32>
    %dot_general3A_15 = tpu.matmul %get3A_11, %get3A_14, %dot_general3A {dimension_numbers = #tpu.dot_dimension_numbers<[1], [0], [0], [1], [0, 0, 1, 1], [], []>, transpose_lhs_hint = false} : vector<10000x128xf32>, vector<128x128xf32>, vector<10000x128xf32> -> vector<10000x128xf32>
    %get3A_16 = arith.constant 0 : index
    %get3A_17 = arith.constant 0 : index
    %get3A_18 = vector.load %arg1[%get3A_16, %get3A_17] : memref<10240x128xf32, #tpu.memory_space<vmem>>, vector<10000x8xf32>
    %get3A_19 = arith.constant 128 : index
    %get3A_20 = arith.constant 0 : index
    %get3A_21 = vector.load %arg2[%get3A_19, %get3A_20] : memref<136x128xf32, #tpu.memory_space<vmem>>, vector<8x128xf32>
    %dot_general3A_22 = arith.constant dense<0.000000e+00> : vector<10000x128xf32>
    %dot_general3A_23 = tpu.matmul %get3A_18, %get3A_21, %dot_general3A_22 {dimension_numbers = #tpu.dot_dimension_numbers<[1], [0], [0], [1], [0, 0, 1, 1], [], []>, transpose_lhs_hint = false} : vector<10000x8xf32>, vector<8x128xf32>, vector<10000x128xf32> -> vector<10000x128xf32>
    %add3A_24 = arith.addf %dot_general3A_15, %dot_general3A_23 : vector<10000x128xf32>
    %mul3A = vector.broadcast %rsqrt3A : vector<10000x1xf32> to vector<10000x128xf32>
    %mul3A_25 = arith.mulf %add3A_24, %mul3A : vector<10000x128xf32>
    %swap3A = arith.constant 0 : index
    %swap3A_26 = arith.constant 0 : index
    %swap3A_27 = vector.load %arg4[%swap3A, %swap3A_26] : memref<10240x128xf32, #tpu.memory_space<vmem>>, vector<10000x128xf32>
    tpu.vector_store %arg4[%swap3A, %swap3A_26], %mul3A_25 {strides = array<i32>} : memref<10240x128xf32, #tpu.memory_space<vmem>>, vector<10000x128xf32>,
    return
  }
}

module attributes {stable_mosaic.version = 14 : i64} {
  func.func @_tc2_body(%arg0: memref<2x10240x128xf32, #tpu.memory_space<vmem>>, %arg1: memref<10240x128xf32, #tpu.memory_space<vmem>>, %arg2: memref<2x10240x16xf32, #tpu.memory_space<vmem>>, %arg3: memref<1x128xf32, #tpu.memory_space<vmem>>, %arg4: memref<10240x128xf32, #tpu.memory_space<vmem>>) attributes {dimension_semantics = [], scalar_prefetch = 0 : i64, scratch_operands = 0 : i64, tpu.core_type = #tpu.core_type<tc>} {
    %get3A = arith.constant 0 : index
    %get3A_0 = arith.constant 0 : index
    %get3A_1 = arith.constant 0 : index
    %get3A_2 = vector.load %arg2[%get3A, %get3A_0, %get3A_1] : memref<2x10240x16xf32, #tpu.memory_space<vmem>>, vector<1x10000x1xf32>
    %get3A_3 = vector.shape_cast %get3A_2 : vector<1x10000x1xf32> to vector<10000x1xf32>
    %get3A_4 = arith.constant 1 : index
    %get3A_5 = arith.constant 0 : index
    %get3A_6 = arith.constant 0 : index
    %get3A_7 = vector.load %arg2[%get3A_4, %get3A_5, %get3A_6] : memref<2x10240x16xf32, #tpu.memory_space<vmem>>, vector<1x10000x1xf32>
    %get3A_8 = vector.shape_cast %get3A_7 : vector<1x10000x1xf32> to vector<10000x1xf32>
    %add3A = arith.addf %get3A_3, %get3A_8 : vector<10000x1xf32>
    %rsqrt3A = math.rsqrt %add3A : vector<10000x1xf32>
    %get3A_9 = arith.constant 0 : index
    %get3A_10 = arith.constant 0 : index
    %get3A_11 = arith.constant 0 : index
    %get3A_12 = vector.load %arg0[%get3A_9, %get3A_10, %get3A_11] : memref<2x10240x128xf32, #tpu.memory_space<vmem>>, vector<1x10000x128xf32>
    %get3A_13 = vector.shape_cast %get3A_12 : vector<1x10000x128xf32> to vector<10000x128xf32>
    %get3A_14 = arith.constant 1 : index
    %get3A_15 = arith.constant 0 : index
    %get3A_16 = arith.constant 0 : index
    %get3A_17 = vector.load %arg0[%get3A_14, %get3A_15, %get3A_16] : memref<2x10240x128xf32, #tpu.memory_space<vmem>>, vector<1x10000x128xf32>
    %get3A_18 = vector.shape_cast %get3A_17 : vector<1x10000x128xf32> to vector<10000x128xf32>
    %add3A_19 = arith.addf %get3A_13, %get3A_18 : vector<10000x128xf32>
    %get3A_20 = arith.constant 0 : index
    %get3A_21 = arith.constant 0 : index
    %get3A_22 = vector.load %arg1[%get3A_20, %get3A_21] : memref<10240x128xf32, #tpu.memory_space<vmem>>, vector<10000x128xf32>
    %add3A_23 = arith.addf %add3A_19, %get3A_22 : vector<10000x128xf32>
    %mul3A = vector.broadcast %rsqrt3A : vector<10000x1xf32> to vector<10000x128xf32>
    %mul3A_24 = arith.mulf %add3A_23, %mul3A : vector<10000x128xf32>
    %get3A_25 = arith.constant 0 : index
    %get3A_26 = arith.constant 0 : index
    %get3A_27 = vector.load %arg3[%get3A_25, %get3A_26] : memref<1x128xf32, #tpu.memory_space<vmem>>, vector<1x128xf32>
    %add3A_28 = vector.broadcast %get3A_27 : vector<1x128xf32> to vector<10000x128xf32>
    %add3A_29 = arith.addf %mul3A_24, %add3A_28 : vector<10000x128xf32>
    %max3A = arith.constant 0.000000e+00 : f32
    %max3A_30 = vector.broadcast %max3A : f32 to vector<10000x128xf32>
    %max3A_31 = arith.maximumf %add3A_29, %max3A_30 : vector<10000x128xf32>
    %mul3A_32 = vector.broadcast %rsqrt3A : vector<10000x1xf32> to vector<10000x128xf32>
    %mul3A_33 = arith.mulf %max3A_31, %mul3A_32 : vector<10000x128xf32>
    %swap3A = arith.constant 0 : index
    %swap3A_34 = arith.constant 0 : index
    %swap3A_35 = vector.load %arg4[%swap3A, %swap3A_34] : memref<10240x128xf32, #tpu.memory_space<vmem>>, vector<10000x128xf32>
    tpu.vector_store %arg4[%swap3A, %swap3A_34], %mul3A_33 {strides = array<i32>} : memref<10240x128xf32, #tpu.memory_space<vmem>>, vector<10000x128xf32>,
    return
  }
}

module attributes {stable_mosaic.version = 14 : i64} {
  func.func @_tc3_body(%arg0: memref<2x10240x128xf32, #tpu.memory_space<vmem>>, %arg1: memref<10240x128xf32, #tpu.memory_space<vmem>>, %arg2: memref<2x10240x16xf32, #tpu.memory_space<vmem>>, %arg3: memref<128x64xf32, #tpu.memory_space<vmem>>, %arg4: memref<1x64xf32, #tpu.memory_space<vmem>>, %arg5: memref<10000x64xf32, #tpu.memory_space<vmem>>) attributes {dimension_semantics = [], scalar_prefetch = 0 : i64, scratch_operands = 0 : i64, tpu.core_type = #tpu.core_type<tc>} {
    %get3A = arith.constant 0 : index
    %get3A_0 = arith.constant 0 : index
    %get3A_1 = arith.constant 0 : index
    %get3A_2 = vector.load %arg2[%get3A, %get3A_0, %get3A_1] : memref<2x10240x16xf32, #tpu.memory_space<vmem>>, vector<1x10000x1xf32>
    %get3A_3 = vector.shape_cast %get3A_2 : vector<1x10000x1xf32> to vector<10000x1xf32>
    %get3A_4 = arith.constant 1 : index
    %get3A_5 = arith.constant 0 : index
    %get3A_6 = arith.constant 0 : index
    %get3A_7 = vector.load %arg2[%get3A_4, %get3A_5, %get3A_6] : memref<2x10240x16xf32, #tpu.memory_space<vmem>>, vector<1x10000x1xf32>
    %get3A_8 = vector.shape_cast %get3A_7 : vector<1x10000x1xf32> to vector<10000x1xf32>
    %add3A = arith.addf %get3A_3, %get3A_8 : vector<10000x1xf32>
    %rsqrt3A = math.rsqrt %add3A : vector<10000x1xf32>
    %get3A_9 = arith.constant 0 : index
    %get3A_10 = arith.constant 0 : index
    %get3A_11 = arith.constant 0 : index
    %get3A_12 = vector.load %arg0[%get3A_9, %get3A_10, %get3A_11] : memref<2x10240x128xf32, #tpu.memory_space<vmem>>, vector<1x10000x128xf32>
    %get3A_13 = vector.shape_cast %get3A_12 : vector<1x10000x128xf32> to vector<10000x128xf32>
    %get3A_14 = arith.constant 1 : index
    %get3A_15 = arith.constant 0 : index
    %get3A_16 = arith.constant 0 : index
    %get3A_17 = vector.load %arg0[%get3A_14, %get3A_15, %get3A_16] : memref<2x10240x128xf32, #tpu.memory_space<vmem>>, vector<1x10000x128xf32>
    %get3A_18 = vector.shape_cast %get3A_17 : vector<1x10000x128xf32> to vector<10000x128xf32>
    %add3A_19 = arith.addf %get3A_13, %get3A_18 : vector<10000x128xf32>
    %get3A_20 = arith.constant 0 : index
    %get3A_21 = arith.constant 0 : index
    %get3A_22 = vector.load %arg1[%get3A_20, %get3A_21] : memref<10240x128xf32, #tpu.memory_space<vmem>>, vector<10000x128xf32>
    %add3A_23 = arith.addf %add3A_19, %get3A_22 : vector<10000x128xf32>
    %get3A_24 = arith.constant 0 : index
    %get3A_25 = arith.constant 0 : index
    %get3A_26 = vector.load %arg3[%get3A_24, %get3A_25] : memref<128x64xf32, #tpu.memory_space<vmem>>, vector<128x64xf32>
    %dot_general3A = arith.constant dense<0.000000e+00> : vector<10000x64xf32>
    %dot_general3A_27 = tpu.matmul %add3A_23, %get3A_26, %dot_general3A {dimension_numbers = #tpu.dot_dimension_numbers<[1], [0], [0], [1], [0, 0, 1, 1], [], []>, transpose_lhs_hint = false} : vector<10000x128xf32>, vector<128x64xf32>, vector<10000x64xf32> -> vector<10000x64xf32>
    %mul3A = vector.broadcast %rsqrt3A : vector<10000x1xf32> to vector<10000x64xf32>
    %mul3A_28 = arith.mulf %dot_general3A_27, %mul3A : vector<10000x64xf32>
    %get3A_29 = arith.constant 0 : index
    %get3A_30 = arith.constant 0 : index
    %get3A_31 = vector.load %arg4[%get3A_29, %get3A_30] : memref<1x64xf32, #tpu.memory_space<vmem>>, vector<1x64xf32>
    %add3A_32 = vector.broadcast %get3A_31 : vector<1x64xf32> to vector<10000x64xf32>
    %add3A_33 = arith.addf %mul3A_28, %add3A_32 : vector<10000x64xf32>
    %swap3A = arith.constant 0 : index
    %swap3A_34 = arith.constant 0 : index
    %swap3A_35 = vector.load %arg5[%swap3A, %swap3A_34] : memref<10000x64xf32, #tpu.memory_space<vmem>>, vector<10000x64xf32>
    tpu.vector_store %arg5[%swap3A, %swap3A_34], %add3A_33 {strides = array<i32>} : memref<10000x64xf32, #tpu.memory_space<vmem>>, vector<10000x64xf32>,
    return
  }
}

</mosaic_0001>

<sc_bundles>
// kernel: kernel.11.cloned.1.call-start
scs
__scs_entry_jumppad:
0x0: {  	(pc) =	sbr.rel $0x88, $3  }
0x1: {  	(tag) =	ssettag $0x0;
	lr =	simm.s32 $0x1  }
0x2: {  	[smem:$0x3F99] =	sst lr;
	_ =	strace $0xD0000000  }
0x3: {  	_ = 	snop  }
0x4: {  	_ = 	snop  }
0x5: {  	_ = 	snop  }
0x6: {  	_ = 	snop  }
0x7: {  	_ = 	snop  }
__scs_overlays_trampoline_lowered:
0x8: {  	[smem:$0x3FA8] =	sst s0  }
0x9: {  	[smem:$0x3FA9] =	sst s1  }
0xa: {  	[smem:$0x3FAA] =	sst s2  }
0xb: {  	[smem:$0x3FAB] =	sst s3  }
0xc: {  	[smem:$0x3FAC] =	sst s4  }
0xd: {  	[smem:$0x3FAD] =	sst s5  }
0xe: {  	[smem:$0x3FAE] =	sst s6  }
0xf: {  	[smem:$0x3FAF] =	sst s7  }
0x10: {  	[smem:$0x3FB0] =	sst s8  }
0x11: {  	[smem:$0x3FB1] =	sst s9;
	s0 =	simm.s32 @!p0 $0x0  }
0x12: {  	s1 =	sld [smem:$0x3F97];
	s0 =	simm.s32 @p0 $0x1  }
0x13: {  	[smem:$0x3FB2] =	sst s0;
	s0 =	simm.s32 @!p1 $0x0  }
0x14: {  	s2 =	sld [smem:$0x3F96];
	s0 =	simm.s32 @p1 $0x1  }
0x15: {  	[smem:$0x3FB3] =	sst s0;
	s0 =	simm.s32 @!p2 $0x0  }
0x16: {  	s3 =	sld [smem:$0x3FDB];
	s0 =	simm.s32 @p2 $0x1  }
0x17: {  	s4 =	simm.s32 $0x1BF5;
	[smem:$0x3FB5] =	sst s0  }
0x18: {  	s0 =	sld [smem:$0x3F98];
	_ =	swait.ge [sflag:s4], $0x0  }
0x19: {  	s7 =	sld [smem:$0x3F99]  }
0x1a: {  	s8 =	sadd.s32 $0xFFFFE003, lr  }
0x1b: {  	s9 =	sadd.s32 $0xFFFFFEF7, lr;
	s5 =	simm.s32 $0xFFFFFFFF;
	p2 =	slt.u32 s8, $0xFFFFF086  }
0x1c: {  	p1 =	slt.u32 s9, $0xF7A;
	s5 =	simm.s32 @!p2 $0x0  }
0x1d: {  	s5 =	simm.s32 @p1 $0x1;
	p0 =	seq.s32 s7, s2  }
0x1e: {  	s7 =	smul.u32 @!p0 $0xF7A, s2;
	p2 =	seq.s32 @!p0 s5, $0x0  }
0x1f: {  	s9 =	smul.u32 $0xF7A, s1;
	s8 =	simm.s32 @!p0 $0x1BF5;
	p2 =	por !p2, p0  }
0x20: {  	[sflag:s8] =	ssyncset.s32 @!p0 $0xFFFFF086;
	s6 =	sadd.s32 @!p0 s3, s7;
	s7 =	simm.s32 @!p0 $0x108  }
0x21: {  	s3 =	sadd.s32 s3, s9;
	s6 =	sadd.s32 @!p0 $0x88, s6;
	s7 =	simm.s32 @p2 $0x1082  }
0x22: {  	[simem:s7], [sflag:s8] =	dma.local @!p0 [hbm:s6], $0xF7A  }
0x23: {  	s9 =	sor.u32 $0xD0000000, s2;
	s6 =	simm.s32 $0x108;
	_ =	swait.ge @!p0 [sflag:s8], $0x0  }
0x24: {  	s3 =	sadd.s32 $0x88, s3;
	s6 =	simm.s32 @!p1 $0x1082;
	[sflag:s4] =	ssyncset.s32 $0xFFFFF086  }
0x25: {  	[simem:s6], [sflag:s4] =	dma.local [hbm:s3], $0xF7A  }
0x26: {  	[smem:$0x3F99] =	sst s1;
	(tag) =	ssettag s2;
	_ =	strace s9  }
0x27: {  	s1 =	sld [smem:$0x3FA9]  }
0x28: {  	s2 =	sld [smem:$0x3FAA]  }
0x29: {  	s4 =	sld [smem:$0x3FAC]  }
0x2a: {  	p0 =	seq.s32 s5, $0x0;
	s5 =	sld [smem:$0x3FAD]  }
0x2b: {  	s6 =	sld [smem:$0x3FAE]  }
0x2c: {  	s7 =	sld [smem:$0x3FAF]  }
0x2d: {  	s3 =	simm.s32 $0x108;
	s8 =	sld [smem:$0x3FB0]  }
0x2e: {  	s3 =	simm.s32 @!p0 $0x1082;
	s9 =	sld [smem:$0x3FB1]  }
0x2f: {  	lr =	sadd.s32 s0, s3;
	s0 =	sld [smem:$0x3FA8]  }
0x30: {  	s3 =	sld [smem:$0x3FAB]  }
0x31: {  	[smem:$0x3FB4] =	sst s10  }
0x32: {  	s10 =	sld [smem:$0x3FB2];
	_ =	sdelay $0x3  }
0x33: {  	p0 =	seq.s32 s10, $0x1;
	s10 =	sld [smem:$0x3FB4];
	_ =	sdelay $0x3  }
0x34: {  	[smem:$0x3FB4] =	sst s10  }
0x35: {  	s10 =	sld [smem:$0x3FB3];
	_ =	sdelay $0x3  }
0x36: {  	p1 =	seq.s32 s10, $0x1;
	s10 =	sld [smem:$0x3FB4];
	_ =	sdelay $0x3  }
0x37: {  	[smem:$0x3FB4] =	sst s10  }
0x38: {  	s10 =	sld [smem:$0x3FB5]  }
0x39: {  	_ = 	snop;
	(pc) =	sbr.ind lr, $3  }
0x3a: {  	_ = 	snop  }
0x3b: {  	_ = 	snop  }
0x3c: {  	p2 =	seq.s32 s10, $0x1;
	s10 =	sld [smem:$0x3FB4]  }
0x3d: {  	_ =	shalt  }
0x3e: {  	_ =	shalt  }
0x3f: {  	_ =	shalt  }
0x40: {  	_ =	shalt  }
0x41: {  	_ =	shalt  }
0x42: {  	_ =	shalt  }
0x43: {  	_ =	shalt  }
0x44: {  	_ =	shalt  }
0x45: {  	_ =	shalt  }
0x46: {  	_ =	shalt  }
0x47: {  	_ =	shalt  }
0x48: {  	_ =	shalt  }
0x49: {  	_ =	shalt  }
0x4a: {  	_ =	shalt  }
0x4b: {  	_ =	shalt  }
0x4c: {  	_ =	shalt  }
0x4d: {  	_ =	shalt  }
0x4e: {  	_ =	shalt  }
0x4f: {  	_ =	shalt  }
0x50: {  	_ =	shalt  }
0x51: {  	_ =	shalt  }
0x52: {  	_ =	shalt  }
0x53: {  	_ =	shalt  }
0x54: {  	_ =	shalt  }
0x55: {  	_ =	shalt  }
0x56: {  	_ =	shalt  }
0x57: {  	_ =	shalt  }
0x58: {  	_ =	shalt  }
0x59: {  	_ =	shalt  }
0x5a: {  	_ =	shalt  }
0x5b: {  	_ =	shalt  }
0x5c: {  	_ =	shalt  }
0x5d: {  	_ =	shalt  }
0x5e: {  	_ =	shalt  }
0x5f: {  	_ =	shalt  }
0x60: {  	_ =	shalt  }
0x61: {  	_ =	shalt  }
0x62: {  	_ =	shalt  }
0x63: {  	_ =	shalt  }
0x64: {  	_ =	shalt  }
0x65: {  	_ =	shalt  }
0x66: {  	_ =	shalt  }
0x67: {  	_ =	shalt  }
0x68: {  	_ =	shalt  }
0x69: {  	_ =	shalt  }
0x6a: {  	_ =	shalt  }
0x6b: {  	_ =	shalt  }
0x6c: {  	_ =	shalt  }
0x6d: {  	_ =	shalt  }
0x6e: {  	_ =	shalt  }
0x6f: {  	_ =	shalt  }
0x70: {  	_ =	shalt  }
0x71: {  	_ =	shalt  }
0x72: {  	_ =	shalt  }
0x73: {  	_ =	shalt  }
0x74: {  	_ =	shalt  }
0x75: {  	_ =	shalt  }
0x76: {  	_ =	shalt  }
0x77: {  	_ =	shalt  }
0x78: {  	_ =	shalt  }
0x79: {  	_ =	shalt  }
0x7a: {  	_ =	shalt  }
0x7b: {  	_ =	shalt  }
0x7c: {  	_ =	shalt  }
0x7d: {  	_ =	shalt  }
0x7e: {  	_ =	shalt  }
0x7f: {  	_ =	shalt  }
0x80: {  	_ =	shalt  }
0x81: {  	_ =	shalt  }
0x82: {  	_ =	shalt  }
0x83: {  	_ =	shalt  }
0x84: {  	_ =	shalt  }
0x85: {  	_ =	shalt  }
0x86: {  	_ =	shalt  }
0x87: {  	_ =	shalt  }
.Lfunc_end0:
.L_simem_size_0:
called_computation.1_lowered:
.L_overlay_start_0:
0x88: {  	s2 =	sld [smem:$0x3FD9]  }
0x89: {  	s3 =	sld [smem:$0x3FFE];
	_ =	sdelay $0x1  }
0x8a: {  	s1 =	srdreg.scid  }
0x8b: {  	s0 =	sand.u32 $0x1, s1  }
0x8c: {  	s17 =	sshll.u32 s0, $0xA;
	s2 =	sadd.s32 s3, s2  }
0x8d: {  	s2 =	sadd.s32 s2, s17  }
0x8e: {  	[smem:$0x3FC0] =	sst s2  }
0x8f: {  	_ = 	snop  }
0x90: {  	s2 =	sld [smem:$0x3FD0];
	(tm) =	ssettm $0x1  }
0x91: {  	s18 =	sld [smem:$0x3FFB];
	_ =	sdelay $0x3  }
0x92: {  	_ =	strace s18  }
0x93: {  	s3 =	sld [smem:$0x3FFC];
	_ =	sdelay $0x3  }
0x94: {  	_ =	strace s3  }
0x95: {  	s3 =	sld [smem:$0x3FFD];
	_ =	sdelay $0x3  }
0x96: {  	_ =	strace s3  }
0x97: {  	_ =	strace $0x8FFFFFFF  }
0x98: {  	s19 =	sld [smem:$0x3FDB];
	_ =	sdelay $0x1  }
0x99: {  	s4 =	simm.s32 $_scs_section_size  }
0x9a: {  	s5 =	simm.s32 $_size__tile_overlayer_lowered;
	s6 =	simm.s32 $_tile_overlayer_lowered  }
0x9b: {  	s22 =	simm.s32 $0x1BFF;
	s21 =	sshll.u32 s6, $0x1;
	s3 =	sadd.s32 s4, s19  }
0x9c: {  	s7 =	simm.s32 $0x0;
	s20 =	sshll.u32 s5, $0x1;
	s5 =	sadd.s32 s21, s3  }
0x9d: {  	[timem:s7], [sflag:s22] =	dma.local [hbm:s5], s20  }
0x9e: {  	_ =	swait.ge [sflag:s22], s20  }
0x9f: {  	s4 =	ssub.s32 $0x0, s20;
	[sflag:s22] =	ssyncset.done $0x0  }
0xa0: {  	[sflag:s22] =	ssyncadd.s32 s4;
	_ =	sdelay $0x1  }
0xa1: {  	s23 =	simm.s32 $0x1B8B  }
0xa2: {  	_ =	swait.ge [sflag:s23], $0x1  }
0xa3: {  	[sflag:s23] =	ssyncset.done $0x0  }
0xa4: {  	s25 =	simm.s32 $0x1B8E;
	s24 =	sld [smem:$0x3FFE];
	[sflag:s23] =	ssyncadd.s32 $0xFFFFFFFF  }
0xa5: {  	s26 =	simm.s32 $execute0_lowered;
	[smem:$0x3FD2] =	sst s25  }
0xa6: {  	s5 =	sshll.u32 s26, $0x1;
	_ =	strace $0x80000049;
	[dreg:$0x1] =	wrdreg $0xFFFFFFFF  }
0xa7: {  	s28 =	simm.s32 $_size_execute0_lowered;
	s3 =	sadd.s32 s3, s5;
	[dreg:$0x0] =	wrdreg $0x0  }
0xa8: {  	s5 =	sshll.u32 s28, $0x1;
	[dreg:$0x2] =	wrdreg s3  }
0xa9: {  	[dreg:$0x3] =	wrdreg s5  }
0xaa: {  	[dreg:$0x4] =	wrdreg $0xC0  }
0xab: {  	_ =	task [dreg:s7], $0x5FFFF  }
0xac: {  	[dreg:$0x1] =	wrdreg $0xFFFFFFFF  }
0xad: {  	[dreg:$0x0] =	wrdreg $0x60  }
0xae: {  	[dreg:$0x2] =	wrdreg s24  }
0xaf: {  	[dreg:$0x3] =	wrdreg s2  }
0xb0: {  	[dreg:$0x4] =	wrdreg $0x29000  }
0xb1: {  	[dreg:$0x5] =	wrdreg $0x9  }
0xb2: {  	_ =	task.clear_ibuf [dreg:s7], $0x6FFFF;
	_ =	strace $0x90000049  }
0xb3: {  	s29 =	simm.s32 $0x9;
	_ =	strace $0x8000004B  }
0xb4: {  	_ =	swait.ge [sflag:s29], $0x1  }
0xb5: {  	[sflag:s29] =	ssyncadd.s32 $0xFFFFFFFF  }
0xb6: {  	_ =	strace $0x9000004B  }
0xb7: {  	_ =	sfence  }
0xb8: {  	s30 =	sld [smem:$0x0];
	_ =	sdelay $0x2  }
0xb9: {  	s31 =	sshll.u32 s1, $0xD;
	s1 =	sshrl.u32 s1, $0x2  }
0xba: {  	s3 =	sand.u32 $0x4000, s31;
	s1 =	sadd.s32 s1, s30  }
0xbb: {  	s0 =	sor.u32 s3, s0;
	s1 =	sshll.u32 s1, $0x11  }
0xbc: {  	s0 =	sor.u32 s1, s0  }
0xbd: {  	s0 =	sadd.s32 $0x8F2B, s0  }
0xbe: {  	[sflag:s0] =	ssyncadd.remote.s32 $0x1  }
0xbf: {  	_ =	sfence.sel $0xFFFF  }
0xc0: {  	[dreg:$0x0] =	wrdreg $0xFFFFFFFF;
	(pc) =	sbr.abs _section_cstart, $3  }
0xc1: {  	[dreg:$0x1] =	wrdreg $0xFFFFFFFF  }
0xc2: {  	_ =	task.clear_ibuf [dreg:s7], $0x2FFFF;
	_ =	strace $0x9FFFFFFF  }
0xc3: {  	(tm) =	ssettm $0x7FFFFFFF  }
tec
execute0_lowered:
.L_overlay_start_1:
0x0: {  	(tag) =	ssettag $0x1  }
0x1: {  	s6 =	rddreg [dreg:$0x0]  }
0x2: {  	s10 =	rddreg [dreg:$0x1]  }
0x3: {  	s0 =	srdreg.scid;
	s2 =	rddreg [dreg:$0x2]  }
0x4: {  	s1 =	rddreg [dreg:$0x3];
	s7 =	sand.u32 $0x1, s0  }
0x5: {  	s0 =	stileid.u32;
	s4 =	smul.u32 $0x27100, s7  }
0x6: {  	s3 =	simm.s32 $0x0;
	s15 =	simm.s32 $0x100;
	s5 =	smul.u32 $0x2710, s0  }
0x7: {  	s16 =	simm.s32 $0x1;
	[smem:$0x7FF] =	sst s3;
	s8 =	smul.u32 $0x140000, s7  }
0x8: {  	s17 =	simm.s32 $0x0;
	s9 =	smul.u32 $0x14000, s0;
	_ =	strace $0x8000004A  }
0x9: {  	s29 =	smul.u32 $0x50000, s0;
	s7 =	ssub.s32 $0x2, s7;
	s31 =	sshll.u32 s0, $0x6  }
0xa: {  	s30 =	sshrl.u32 s7, $0x1;
	s5 =	sadd.s32 s5, s4;
	s4 =	sadd.s32 $0xC800, s6  }
0xb: {  	s8 =	sadd.s32 s9, s8;
	s9 =	sshrl.u32 s29, $0x2;
	s13 =	ssub.s32 s7, s30  }
0xc: {  	s11 =	sshrl.u32 s5, $0x3;
	s5 =	sadd.s32 $0x34800, s6;
	s8 =	sshrl.u32 s8, $0x3  }
0xd: {  	s14 =	sadd.s32 s9, s2;
	s12 =	sadd.s32 s11, s6;
	s8 =	sadd.s32 s8, s6  }
0xe: {  	s6 =	sor.u32 $0x1C02, s31;
	s10 =	sadd.s32 s11, s10;
	s11 =	sshrl.u32 s14, $0x3  }
0xf: {  	s14 =	simm.s32 $0x50;
	s7 =	sadd.s32 $0x8BC00, s8;
	s8 =	smax.u32 s13, $0x1  }
0x10: {  	s9 =	sadd.s32 $0x2A00, s12;
	s12 =	simm.s32 $0x2;
	s13 =	simm.s32 $0x80  }
.LBB2_1:
0x11: {  	[spmem:s11], [sflag:s6] =	dma.local [hbm:s5], $0x2800  }
0x12: {  	_ =	swait.ge [sflag:s12], $0x2800  }
0x13: {  	[sflag:s12] =	ssyncset.done $0x0  }
0x14: {  	[sflag:s12] =	ssyncadd.s32 $0xFFFFD800  }
0x15: {  	s18 =	sadd.s32 $0x0, s10;
	[bflag:$0x0] =	sbarrier.arrive $0xFFFF  }
0x16: {  	[tilespmem:s3], [sflag:$0x2] =	stream.linear.gather [hbm4b:s18+s3], $0x50, $0x38;
	[tilespmem:$0x16900] =	vst v63  }
0x17: {  	_ =	swait.ge [sflag:s12], $0x50  }
0x18: {  	[sflag:s12] =	ssyncset.done $0x0  }
0x19: {  	s31 =	sadd.s32 $0x0, s9;
	[sflag:s12] =	ssyncadd.s32 $0xFFFFFFB0  }
0x1a: {  	[tilespmem:s13], [sflag:$0x2] =	stream.linear.gather [hbm4b:s31+s3], $0x50, $0x38;
	[tilespmem:$0x16900] =	vst v63  }
0x1b: {  	_ =	swait.ge [sflag:s12], $0x50  }
0x1c: {  	[sflag:s12] =	ssyncset.done $0x0  }
0x1d: {  	[sflag:s12] =	ssyncadd.s32 $0xFFFFFFB0  }
0x1e: {  	[tilespmem:s15], [sflag:$0x1] =	stream.indirect.gather [hbm4b:s4+s14], $0x80, s3, s14, $0xb8;
	[tilespmem:$0x16900] =	vst v63  }
0x1f: {  	_ =	swait.ge [sflag:s16], $0x2800  }
0x20: {  	[sflag:s16] =	ssyncset.done $0x0  }
0x21: {  	[sflag:s16] =	ssyncadd.s32 $0xFFFFD800  }
0x22: {  	[spmem:s2] =	stream.indirect.scatter.add.f32 [tilespmem:s15], [sflag:$0x2], $0x80, s13, s14, $0xb8;
	[tilespmem:$0x16900] =	vst v63  }
0x23: {  	_ =	swait.ge [sflag:s12], $0x2800  }
0x24: {  	s19 =	simm.s32 $0x14;
	s18 =	simm.s32 $0xA;
	[sflag:s12] =	ssyncset.done $0x0  }
.LBB2_2:
0x25: {  	s20 =	sadd.s32 s18, s10  }
0x26: {  	[sflag:s12] =	ssyncadd.s32 $0xFFFFD800;
	s21 =	smov.u32 s19;
	s22 =	sadd.s32 $0xA, s19  }
0x27: {  	[tilespmem:s3], [sflag:$0x2] =	stream.linear.gather [hbm4b:s20+s3], $0x50, $0x38;
	[tilespmem:$0x16900] =	vst v63  }
0x28: {  	p0 =	sne.s32 s19, $0x4D8;
	_ =	swait.ge [sflag:s12], $0x50  }
0x29: {  	[sflag:s12] =	ssyncset.done $0x0  }
0x2a: {  	s19 =	sadd.s32 s18, s9;
	s18 =	smov.u32 s21;
	[sflag:s12] =	ssyncadd.s32 $0xFFFFFFB0  }
0x2b: {  	[tilespmem:s13], [sflag:$0x2] =	stream.linear.gather [hbm4b:s19+s3], $0x50, $0x38;
	[tilespmem:$0x16900] =	vst v63  }
0x2c: {  	_ =	swait.ge [sflag:s12], $0x50  }
0x2d: {  	[sflag:s12] =	ssyncset.done $0x0  }
0x2e: {  	[sflag:s12] =	ssyncadd.s32 $0xFFFFFFB0  }
0x2f: {  	[tilespmem:s15], [sflag:$0x1] =	stream.indirect.gather [hbm4b:s4+s14], $0x80, s3, s14, $0xb8;
	[tilespmem:$0x16900] =	vst v63  }
0x30: {  	_ =	swait.ge [sflag:s16], $0x2800  }
.Ltmp0:
0x31: {  	[sflag:s16] =	ssyncset.done $0x0;
	(pc) =	sbr.rel @p0 .LBB2_2-.Ltmp0, $4  }
0x32: {  	[sflag:s16] =	ssyncadd.s32 $0xFFFFD800  }
0x33: {  	[spmem:s2] =	stream.indirect.scatter.add.f32 [tilespmem:s15], [sflag:$0x2], $0x80, s13, s14, $0xb8;
	[tilespmem:$0x16900] =	vst v63  }
0x34: {  	_ =	swait.ge [sflag:s12], $0x2800  }
0x35: {  	s19 =	smov.u32 s22;
	[sflag:s12] =	ssyncset.done $0x0  }
0x36: {  	s19 =	sadd.s32 s18, s10;
	[sflag:s12] =	ssyncadd.s32 $0xFFFFD800  }
0x37: {  	[tilespmem:s3], [sflag:$0x2] =	stream.linear.gather [hbm4b:s19+s3], $0x50, $0x38;
	[tilespmem:$0x16900] =	vst v63  }
0x38: {  	_ =	swait.ge [sflag:s12], $0x50  }
0x39: {  	[sflag:s12] =	ssyncset.done $0x0  }
0x3a: {  	s31 =	sadd.s32 s18, s9;
	[sflag:s12] =	ssyncadd.s32 $0xFFFFFFB0  }
0x3b: {  	[tilespmem:s13], [sflag:$0x2] =	stream.linear.gather [hbm4b:s31+s3], $0x50, $0x38;
	[tilespmem:$0x16900] =	vst v63  }
0x3c: {  	_ =	swait.ge [sflag:s12], $0x50  }
0x3d: {  	[sflag:s12] =	ssyncset.done $0x0  }
0x3e: {  	[sflag:s12] =	ssyncadd.s32 $0xFFFFFFB0  }
0x3f: {  	[tilespmem:s15], [sflag:$0x1] =	stream.indirect.gather [hbm4b:s4+s14], $0x80, s3, s14, $0xb8;
	[tilespmem:$0x16900] =	vst v63  }
0x40: {  	_ =	swait.ge [sflag:s16], $0x2800  }
0x41: {  	[sflag:s16] =	ssyncset.done $0x0  }
0x42: {  	[sflag:s16] =	ssyncadd.s32 $0xFFFFD800  }
0x43: {  	[spmem:s2] =	stream.indirect.scatter.add.f32 [tilespmem:s15], [sflag:$0x2], $0x80, s13, s14, $0xb8;
	[tilespmem:$0x16900] =	vst v63  }
0x44: {  	_ =	swait.ge [sflag:s12], $0x2800  }
0x45: {  	s17 =	sadd.s32 $0x1, s17;
	[sflag:s12] =	ssyncset.done $0x0  }
0x46: {  	p0 =	sne.s32 s17, s8;
	[sflag:s12] =	ssyncadd.s32 $0xFFFFD800  }
.Ltmp1:
0x47: {  	[bflag:$0x0] =	sbarrier.arrive $0xFFFF;
	(pc) =	sbr.rel @p0 .LBB2_1-.Ltmp1, $4  }
0x48: {  	[hbm:s7], [sflag:s6] =	dma.local [spmem:s11], $0x2800  }
0x49: {  	_ =	swait.ge [sflag:s12], $0x2800  }
0x4a: {  	[sflag:s12] =	ssyncset.done $0x0  }
0x4b: {  	[sflag:s12] =	ssyncadd.s32 $0xFFFFD800  }
0x4c: {  	_ =	sfence.sel $0x180000  }
0x4d: {  	[bflag:$0x0] =	sbarrier.arrive $0xFFFF  }
0x4e: {  	p0 =	sne.s32 s0, $0x0;
	_ =	strace $0x9000004A  }
0x4f: {  	s0 =	sadd.s32 @!p0 $0x100000, s1;
	[bflag:$0x2] =	sbarrier.arrive $0xFFFF  }
0x50: {  	[sflag:s0] =	ssyncadd.tile.s32 @!p0 $0x1;
	_ =	shalt  }
.Lfunc_end2:
_tile_overlayer_lowered:
.L_overlay_start_2:
0x51: {  	(tag) =	ssettag $0x2  }
0x52: {  	s0 =	rddreg [dreg:$0x0];
	s2 =	stileid.u32  }
0x53: {  	s1 =	rddreg [dreg:$0x1];
	p0 =	sne.s32 s2, $0x0  }
0x54: {  	s3 =	rddreg [dreg:$0x2];
	[bflag:$0x3] =	sbarrier.arrive $0xFFFF;
	s2 =	simm.s32 @!p0 $0x1C02  }
0x55: {  	[timem:s3], [sflag:s2] =	dma.local @!p0 [hbm:s0], s1  }
0x56: {  	s0 =	simm.s32 @!p0 $0x2  }
0x57: {  	_ =	swait.ge @!p0 [sflag:s0], s1  }
0x58: {  	s1 =	ssub.s32 @!p0 $0x0, s1;
	[sflag:s0] =	ssyncset.done @!p0 $0x0  }
0x59: {  	[sflag:s0] =	ssyncadd.s32 @!p0 s1  }
0x5a: {  	[bflag:$0x3] =	sbarrier.arrive $0xFFFF  }
0x5b: {  	_ =	shalt  }

// kernel: kernel.14.cloned.1.call-start
scs
__scs_entry_jumppad:
0x0: {  	(pc) =	sbr.rel $0x88, $3  }
0x1: {  	(tag) =	ssettag $0x0;
	lr =	simm.s32 $0x1  }
0x2: {  	[smem:$0x3F99] =	sst lr;
	_ =	strace $0xD0000000  }
0x3: {  	_ = 	snop  }
0x4: {  	_ = 	snop  }
0x5: {  	_ = 	snop  }
0x6: {  	_ = 	snop  }
0x7: {  	_ = 	snop  }
__scs_overlays_trampoline_lowered:
0x8: {  	[smem:$0x3FA8] =	sst s0  }
0x9: {  	[smem:$0x3FA9] =	sst s1  }
0xa: {  	[smem:$0x3FAA] =	sst s2  }
0xb: {  	[smem:$0x3FAB] =	sst s3  }
0xc: {  	[smem:$0x3FAC] =	sst s4  }
0xd: {  	[smem:$0x3FAD] =	sst s5  }
0xe: {  	[smem:$0x3FAE] =	sst s6  }
0xf: {  	[smem:$0x3FAF] =	sst s7  }
0x10: {  	[smem:$0x3FB0] =	sst s8  }
0x11: {  	[smem:$0x3FB1] =	sst s9;
	s0 =	simm.s32 @!p0 $0x0  }
0x12: {  	s1 =	sld [smem:$0x3F97];
	s0 =	simm.s32 @p0 $0x1  }
0x13: {  	[smem:$0x3FB2] =	sst s0;
	s0 =	simm.s32 @!p1 $0x0  }
0x14: {  	s2 =	sld [smem:$0x3F96];
	s0 =	simm.s32 @p1 $0x1  }
0x15: {  	[smem:$0x3FB3] =	sst s0;
	s0 =	simm.s32 @!p2 $0x0  }
0x16: {  	s3 =	sld [smem:$0x3FDB];
	s0 =	simm.s32 @p2 $0x1  }
0x17: {  	s4 =	simm.s32 $0x1BF5;
	[smem:$0x3FB5] =	sst s0  }
0x18: {  	s0 =	sld [smem:$0x3F98];
	_ =	swait.ge [sflag:s4], $0x0  }
0x19: {  	s7 =	sld [smem:$0x3F99]  }
0x1a: {  	s8 =	sadd.s32 $0xFFFFE003, lr  }
0x1b: {  	s9 =	sadd.s32 $0xFFFFFEF7, lr;
	s5 =	simm.s32 $0xFFFFFFFF;
	p2 =	slt.u32 s8, $0xFFFFF086  }
0x1c: {  	p1 =	slt.u32 s9, $0xF7A;
	s5 =	simm.s32 @!p2 $0x0  }
0x1d: {  	s5 =	simm.s32 @p1 $0x1;
	p0 =	seq.s32 s7, s2  }
0x1e: {  	s7 =	smul.u32 @!p0 $0xF7A, s2;
	p2 =	seq.s32 @!p0 s5, $0x0  }
0x1f: {  	s9 =	smul.u32 $0xF7A, s1;
	s8 =	simm.s32 @!p0 $0x1BF5;
	p2 =	por !p2, p0  }
0x20: {  	[sflag:s8] =	ssyncset.s32 @!p0 $0xFFFFF086;
	s6 =	sadd.s32 @!p0 s3, s7;
	s7 =	simm.s32 @!p0 $0x108  }
0x21: {  	s3 =	sadd.s32 s3, s9;
	s6 =	sadd.s32 @!p0 $0x88, s6;
	s7 =	simm.s32 @p2 $0x1082  }
0x22: {  	[simem:s7], [sflag:s8] =	dma.local @!p0 [hbm:s6], $0xF7A  }
0x23: {  	s9 =	sor.u32 $0xD0000000, s2;
	s6 =	simm.s32 $0x108;
	_ =	swait.ge @!p0 [sflag:s8], $0x0  }
0x24: {  	s3 =	sadd.s32 $0x88, s3;
	s6 =	simm.s32 @!p1 $0x1082;
	[sflag:s4] =	ssyncset.s32 $0xFFFFF086  }
0x25: {  	[simem:s6], [sflag:s4] =	dma.local [hbm:s3], $0xF7A  }
0x26: {  	[smem:$0x3F99] =	sst s1;
	(tag) =	ssettag s2;
	_ =	strace s9  }
0x27: {  	s1 =	sld [smem:$0x3FA9]  }
0x28: {  	s2 =	sld [smem:$0x3FAA]  }
0x29: {  	s4 =	sld [smem:$0x3FAC]  }
0x2a: {  	p0 =	seq.s32 s5, $0x0;
	s5 =	sld [smem:$0x3FAD]  }
0x2b: {  	s6 =	sld [smem:$0x3FAE]  }
0x2c: {  	s7 =	sld [smem:$0x3FAF]  }
0x2d: {  	s3 =	simm.s32 $0x108;
	s8 =	sld [smem:$0x3FB0]  }
0x2e: {  	s3 =	simm.s32 @!p0 $0x1082;
	s9 =	sld [smem:$0x3FB1]  }
0x2f: {  	lr =	sadd.s32 s0, s3;
	s0 =	sld [smem:$0x3FA8]  }
0x30: {  	s3 =	sld [smem:$0x3FAB]  }
0x31: {  	[smem:$0x3FB4] =	sst s10  }
0x32: {  	s10 =	sld [smem:$0x3FB2];
	_ =	sdelay $0x3  }
0x33: {  	p0 =	seq.s32 s10, $0x1;
	s10 =	sld [smem:$0x3FB4];
	_ =	sdelay $0x3  }
0x34: {  	[smem:$0x3FB4] =	sst s10  }
0x35: {  	s10 =	sld [smem:$0x3FB3];
	_ =	sdelay $0x3  }
0x36: {  	p1 =	seq.s32 s10, $0x1;
	s10 =	sld [smem:$0x3FB4];
	_ =	sdelay $0x3  }
0x37: {  	[smem:$0x3FB4] =	sst s10  }
0x38: {  	s10 =	sld [smem:$0x3FB5]  }
0x39: {  	_ = 	snop;
	(pc) =	sbr.ind lr, $3  }
0x3a: {  	_ = 	snop  }
0x3b: {  	_ = 	snop  }
0x3c: {  	p2 =	seq.s32 s10, $0x1;
	s10 =	sld [smem:$0x3FB4]  }
0x3d: {  	_ =	shalt  }
0x3e: {  	_ =	shalt  }
0x3f: {  	_ =	shalt  }
0x40: {  	_ =	shalt  }
0x41: {  	_ =	shalt  }
0x42: {  	_ =	shalt  }
0x43: {  	_ =	shalt  }
0x44: {  	_ =	shalt  }
0x45: {  	_ =	shalt  }
0x46: {  	_ =	shalt  }
0x47: {  	_ =	shalt  }
0x48: {  	_ =	shalt  }
0x49: {  	_ =	shalt  }
0x4a: {  	_ =	shalt  }
0x4b: {  	_ =	shalt  }
0x4c: {  	_ =	shalt  }
0x4d: {  	_ =	shalt  }
0x4e: {  	_ =	shalt  }
0x4f: {  	_ =	shalt  }
0x50: {  	_ =	shalt  }
0x51: {  	_ =	shalt  }
0x52: {  	_ =	shalt  }
0x53: {  	_ =	shalt  }
0x54: {  	_ =	shalt  }
0x55: {  	_ =	shalt  }
0x56: {  	_ =	shalt  }
0x57: {  	_ =	shalt  }
0x58: {  	_ =	shalt  }
0x59: {  	_ =	shalt  }
0x5a: {  	_ =	shalt  }
0x5b: {  	_ =	shalt  }
0x5c: {  	_ =	shalt  }
0x5d: {  	_ =	shalt  }
0x5e: {  	_ =	shalt  }
0x5f: {  	_ =	shalt  }
0x60: {  	_ =	shalt  }
0x61: {  	_ =	shalt  }
0x62: {  	_ =	shalt  }
0x63: {  	_ =	shalt  }
0x64: {  	_ =	shalt  }
0x65: {  	_ =	shalt  }
0x66: {  	_ =	shalt  }
0x67: {  	_ =	shalt  }
0x68: {  	_ =	shalt  }
0x69: {  	_ =	shalt  }
0x6a: {  	_ =	shalt  }
0x6b: {  	_ =	shalt  }
0x6c: {  	_ =	shalt  }
0x6d: {  	_ =	shalt  }
0x6e: {  	_ =	shalt  }
0x6f: {  	_ =	shalt  }
0x70: {  	_ =	shalt  }
0x71: {  	_ =	shalt  }
0x72: {  	_ =	shalt  }
0x73: {  	_ =	shalt  }
0x74: {  	_ =	shalt  }
0x75: {  	_ =	shalt  }
0x76: {  	_ =	shalt  }
0x77: {  	_ =	shalt  }
0x78: {  	_ =	shalt  }
0x79: {  	_ =	shalt  }
0x7a: {  	_ =	shalt  }
0x7b: {  	_ =	shalt  }
0x7c: {  	_ =	shalt  }
0x7d: {  	_ =	shalt  }
0x7e: {  	_ =	shalt  }
0x7f: {  	_ =	shalt  }
0x80: {  	_ =	shalt  }
0x81: {  	_ =	shalt  }
0x82: {  	_ =	shalt  }
0x83: {  	_ =	shalt  }
0x84: {  	_ =	shalt  }
0x85: {  	_ =	shalt  }
0x86: {  	_ =	shalt  }
0x87: {  	_ =	shalt  }
.Lfunc_end0:
.L_simem_size_0:
called_computation.2_lowered:
.L_overlay_start_0:
0x88: {  	s2 =	sld [smem:$0x3FD9]  }
0x89: {  	s3 =	sld [smem:$0x3FFE];
	_ =	sdelay $0x1  }
0x8a: {  	s1 =	srdreg.scid  }
0x8b: {  	s0 =	sand.u32 $0x1, s1  }
0x8c: {  	s17 =	sshll.u32 s0, $0xA;
	s2 =	sadd.s32 s3, s2  }
0x8d: {  	s2 =	sadd.s32 s2, s17  }
0x8e: {  	[smem:$0x3FC0] =	sst s2  }
0x8f: {  	_ = 	snop  }
0x90: {  	s2 =	sld [smem:$0x3FD0];
	(tm) =	ssettm $0x1  }
0x91: {  	s18 =	sld [smem:$0x3FFB];
	_ =	sdelay $0x3  }
0x92: {  	_ =	strace s18  }
0x93: {  	s3 =	sld [smem:$0x3FFC];
	_ =	sdelay $0x3  }
0x94: {  	_ =	strace s3  }
0x95: {  	s3 =	sld [smem:$0x3FFD];
	_ =	sdelay $0x3  }
0x96: {  	_ =	strace s3  }
0x97: {  	_ =	strace $0x8FFFFFFF  }
0x98: {  	s19 =	sld [smem:$0x3FDB];
	_ =	sdelay $0x1  }
0x99: {  	s4 =	simm.s32 $_scs_section_size  }
0x9a: {  	s5 =	simm.s32 $_size__tile_overlayer_lowered;
	s6 =	simm.s32 $_tile_overlayer_lowered  }
0x9b: {  	s22 =	simm.s32 $0x1BFF;
	s21 =	sshll.u32 s6, $0x1;
	s3 =	sadd.s32 s4, s19  }
0x9c: {  	s7 =	simm.s32 $0x0;
	s20 =	sshll.u32 s5, $0x1;
	s5 =	sadd.s32 s21, s3  }
0x9d: {  	[timem:s7], [sflag:s22] =	dma.local [hbm:s5], s20  }
0x9e: {  	_ =	swait.ge [sflag:s22], s20  }
0x9f: {  	s4 =	ssub.s32 $0x0, s20;
	[sflag:s22] =	ssyncset.done $0x0  }
0xa0: {  	[sflag:s22] =	ssyncadd.s32 s4;
	_ =	sdelay $0x1  }
0xa1: {  	s23 =	simm.s32 $0x1B8B  }
0xa2: {  	_ =	swait.ge [sflag:s23], $0x1  }
0xa3: {  	[sflag:s23] =	ssyncset.done $0x0  }
0xa4: {  	s25 =	simm.s32 $0x1B8E;
	s24 =	sld [smem:$0x3FFE];
	[sflag:s23] =	ssyncadd.s32 $0xFFFFFFFF  }
0xa5: {  	s26 =	simm.s32 $execute0_lowered;
	[smem:$0x3FD2] =	sst s25  }
0xa6: {  	s5 =	sshll.u32 s26, $0x1;
	_ =	strace $0x8000004C;
	[dreg:$0x1] =	wrdreg $0xFFFFFFFF  }
0xa7: {  	s28 =	simm.s32 $_size_execute0_lowered;
	s3 =	sadd.s32 s3, s5;
	[dreg:$0x0] =	wrdreg $0x0  }
0xa8: {  	s5 =	sshll.u32 s28, $0x1;
	[dreg:$0x2] =	wrdreg s3  }
0xa9: {  	[dreg:$0x3] =	wrdreg s5  }
0xaa: {  	[dreg:$0x4] =	wrdreg $0xC0  }
0xab: {  	_ =	task [dreg:s7], $0x5FFFF  }
0xac: {  	[dreg:$0x1] =	wrdreg $0xFFFFFFFF  }
0xad: {  	[dreg:$0x0] =	wrdreg $0x60  }
0xae: {  	[dreg:$0x2] =	wrdreg s24  }
0xaf: {  	[dreg:$0x3] =	wrdreg s2  }
0xb0: {  	[dreg:$0x4] =	wrdreg $0x29000  }
0xb1: {  	[dreg:$0x5] =	wrdreg $0x9  }
0xb2: {  	_ =	task.clear_ibuf [dreg:s7], $0x6FFFF;
	_ =	strace $0x9000004C  }
0xb3: {  	s29 =	simm.s32 $0x9;
	_ =	strace $0x8000004E  }
0xb4: {  	_ =	swait.ge [sflag:s29], $0x1  }
0xb5: {  	[sflag:s29] =	ssyncadd.s32 $0xFFFFFFFF  }
0xb6: {  	_ =	strace $0x9000004E  }
0xb7: {  	_ =	sfence  }
0xb8: {  	s30 =	sld [smem:$0x0];
	_ =	sdelay $0x2  }
0xb9: {  	s31 =	sshll.u32 s1, $0xD;
	s1 =	sshrl.u32 s1, $0x2  }
0xba: {  	s3 =	sand.u32 $0x4000, s31;
	s1 =	sadd.s32 s1, s30  }
0xbb: {  	s0 =	sor.u32 s3, s0;
	s1 =	sshll.u32 s1, $0x11  }
0xbc: {  	s0 =	sor.u32 s1, s0  }
0xbd: {  	s0 =	sadd.s32 $0x8F2B, s0  }
0xbe: {  	[sflag:s0] =	ssyncadd.remote.s32 $0x1  }
0xbf: {  	_ =	sfence.sel $0xFFFF  }
0xc0: {  	[dreg:$0x0] =	wrdreg $0xFFFFFFFF;
	(pc) =	sbr.abs _section_cstart, $3  }
0xc1: {  	[dreg:$0x1] =	wrdreg $0xFFFFFFFF  }
0xc2: {  	_ =	task.clear_ibuf [dreg:s7], $0x2FFFF;
	_ =	strace $0x9FFFFFFF  }
0xc3: {  	(tm) =	ssettm $0x7FFFFFFF  }
tec
execute0_lowered:
.L_overlay_start_1:
0x0: {  	(tag) =	ssettag $0x1  }
0x1: {  	s6 =	rddreg [dreg:$0x0]  }
0x2: {  	s10 =	rddreg [dreg:$0x1]  }
0x3: {  	s0 =	srdreg.scid;
	s2 =	rddreg [dreg:$0x2]  }
0x4: {  	s1 =	rddreg [dreg:$0x3];
	s7 =	sand.u32 $0x1, s0  }
0x5: {  	s0 =	stileid.u32;
	s4 =	smul.u32 $0x27100, s7  }
0x6: {  	s3 =	simm.s32 $0x0;
	s15 =	simm.s32 $0x100;
	s5 =	smul.u32 $0x2710, s0  }
0x7: {  	s16 =	simm.s32 $0x1;
	[smem:$0x7FF] =	sst s3;
	s8 =	smul.u32 $0x140000, s7  }
0x8: {  	s17 =	simm.s32 $0x0;
	s9 =	smul.u32 $0x14000, s0;
	_ =	strace $0x8000004D  }
0x9: {  	s29 =	smul.u32 $0x50000, s0;
	s7 =	ssub.s32 $0x2, s7;
	s31 =	sshll.u32 s0, $0x6  }
0xa: {  	s30 =	sshrl.u32 s7, $0x1;
	s5 =	sadd.s32 s5, s4;
	s4 =	sadd.s32 $0xC800, s6  }
0xb: {  	s8 =	sadd.s32 s9, s8;
	s9 =	sshrl.u32 s29, $0x2;
	s13 =	ssub.s32 s7, s30  }
0xc: {  	s11 =	sshrl.u32 s5, $0x3;
	s5 =	sadd.s32 $0x34800, s6;
	s8 =	sshrl.u32 s8, $0x3  }
0xd: {  	s14 =	sadd.s32 s9, s2;
	s12 =	sadd.s32 s11, s6;
	s8 =	sadd.s32 s8, s6  }
0xe: {  	s6 =	sor.u32 $0x1C02, s31;
	s10 =	sadd.s32 s11, s10;
	s11 =	sshrl.u32 s14, $0x3  }
0xf: {  	s14 =	simm.s32 $0x50;
	s7 =	sadd.s32 $0x8BC00, s8;
	s8 =	smax.u32 s13, $0x1  }
0x10: {  	s9 =	sadd.s32 $0x2A00, s12;
	s12 =	simm.s32 $0x2;
	s13 =	simm.s32 $0x80  }
.LBB2_1:
0x11: {  	[spmem:s11], [sflag:s6] =	dma.local [hbm:s5], $0x2800  }
0x12: {  	_ =	swait.ge [sflag:s12], $0x2800  }
0x13: {  	[sflag:s12] =	ssyncset.done $0x0  }
0x14: {  	[sflag:s12] =	ssyncadd.s32 $0xFFFFD800  }
0x15: {  	s18 =	sadd.s32 $0x0, s10;
	[bflag:$0x0] =	sbarrier.arrive $0xFFFF  }
0x16: {  	[tilespmem:s3], [sflag:$0x2] =	stream.linear.gather [hbm4b:s18+s3], $0x50, $0x38;
	[tilespmem:$0x16900] =	vst v63  }
0x17: {  	_ =	swait.ge [sflag:s12], $0x50  }
0x18: {  	[sflag:s12] =	ssyncset.done $0x0  }
0x19: {  	s31 =	sadd.s32 $0x0, s9;
	[sflag:s12] =	ssyncadd.s32 $0xFFFFFFB0  }
0x1a: {  	[tilespmem:s13], [sflag:$0x2] =	stream.linear.gather [hbm4b:s31+s3], $0x50, $0x38;
	[tilespmem:$0x16900] =	vst v63  }
0x1b: {  	_ =	swait.ge [sflag:s12], $0x50  }
0x1c: {  	[sflag:s12] =	ssyncset.done $0x0  }
0x1d: {  	[sflag:s12] =	ssyncadd.s32 $0xFFFFFFB0  }
0x1e: {  	[tilespmem:s15], [sflag:$0x1] =	stream.indirect.gather [hbm4b:s4+s14], $0x80, s3, s14, $0xb8;
	[tilespmem:$0x16900] =	vst v63  }
0x1f: {  	_ =	swait.ge [sflag:s16], $0x2800  }
0x20: {  	[sflag:s16] =	ssyncset.done $0x0  }
0x21: {  	[sflag:s16] =	ssyncadd.s32 $0xFFFFD800  }
0x22: {  	[spmem:s2] =	stream.indirect.scatter.add.f32 [tilespmem:s15], [sflag:$0x2], $0x80, s13, s14, $0xb8;
	[tilespmem:$0x16900] =	vst v63  }
0x23: {  	_ =	swait.ge [sflag:s12], $0x2800  }
0x24: {  	s19 =	simm.s32 $0x14;
	s18 =	simm.s32 $0xA;
	[sflag:s12] =	ssyncset.done $0x0  }
.LBB2_2:
0x25: {  	s20 =	sadd.s32 s18, s10  }
0x26: {  	[sflag:s12] =	ssyncadd.s32 $0xFFFFD800;
	s21 =	smov.u32 s19;
	s22 =	sadd.s32 $0xA, s19  }
0x27: {  	[tilespmem:s3], [sflag:$0x2] =	stream.linear.gather [hbm4b:s20+s3], $0x50, $0x38;
	[tilespmem:$0x16900] =	vst v63  }
0x28: {  	p0 =	sne.s32 s19, $0x4D8;
	_ =	swait.ge [sflag:s12], $0x50  }
0x29: {  	[sflag:s12] =	ssyncset.done $0x0  }
0x2a: {  	s19 =	sadd.s32 s18, s9;
	s18 =	smov.u32 s21;
	[sflag:s12] =	ssyncadd.s32 $0xFFFFFFB0  }
0x2b: {  	[tilespmem:s13], [sflag:$0x2] =	stream.linear.gather [hbm4b:s19+s3], $0x50, $0x38;
	[tilespmem:$0x16900] =	vst v63  }
0x2c: {  	_ =	swait.ge [sflag:s12], $0x50  }
0x2d: {  	[sflag:s12] =	ssyncset.done $0x0  }
0x2e: {  	[sflag:s12] =	ssyncadd.s32 $0xFFFFFFB0  }
0x2f: {  	[tilespmem:s15], [sflag:$0x1] =	stream.indirect.gather [hbm4b:s4+s14], $0x80, s3, s14, $0xb8;
	[tilespmem:$0x16900] =	vst v63  }
0x30: {  	_ =	swait.ge [sflag:s16], $0x2800  }
.Ltmp0:
0x31: {  	[sflag:s16] =	ssyncset.done $0x0;
	(pc) =	sbr.rel @p0 .LBB2_2-.Ltmp0, $4  }
0x32: {  	[sflag:s16] =	ssyncadd.s32 $0xFFFFD800  }
0x33: {  	[spmem:s2] =	stream.indirect.scatter.add.f32 [tilespmem:s15], [sflag:$0x2], $0x80, s13, s14, $0xb8;
	[tilespmem:$0x16900] =	vst v63  }
0x34: {  	_ =	swait.ge [sflag:s12], $0x2800  }
0x35: {  	s19 =	smov.u32 s22;
	[sflag:s12] =	ssyncset.done $0x0  }
0x36: {  	s19 =	sadd.s32 s18, s10;
	[sflag:s12] =	ssyncadd.s32 $0xFFFFD800  }
0x37: {  	[tilespmem:s3], [sflag:$0x2] =	stream.linear.gather [hbm4b:s19+s3], $0x50, $0x38;
	[tilespmem:$0x16900] =	vst v63  }
0x38: {  	_ =	swait.ge [sflag:s12], $0x50  }
0x39: {  	[sflag:s12] =	ssyncset.done $0x0  }
0x3a: {  	s31 =	sadd.s32 s18, s9;
	[sflag:s12] =	ssyncadd.s32 $0xFFFFFFB0  }
0x3b: {  	[tilespmem:s13], [sflag:$0x2] =	stream.linear.gather [hbm4b:s31+s3], $0x50, $0x38;
	[tilespmem:$0x16900] =	vst v63  }
0x3c: {  	_ =	swait.ge [sflag:s12], $0x50  }
0x3d: {  	[sflag:s12] =	ssyncset.done $0x0  }
0x3e: {  	[sflag:s12] =	ssyncadd.s32 $0xFFFFFFB0  }
0x3f: {  	[tilespmem:s15], [sflag:$0x1] =	stream.indirect.gather [hbm4b:s4+s14], $0x80, s3, s14, $0xb8;
	[tilespmem:$0x16900] =	vst v63  }
0x40: {  	_ =	swait.ge [sflag:s16], $0x2800  }
0x41: {  	[sflag:s16] =	ssyncset.done $0x0  }
0x42: {  	[sflag:s16] =	ssyncadd.s32 $0xFFFFD800  }
0x43: {  	[spmem:s2] =	stream.indirect.scatter.add.f32 [tilespmem:s15], [sflag:$0x2], $0x80, s13, s14, $0xb8;
	[tilespmem:$0x16900] =	vst v63  }
0x44: {  	_ =	swait.ge [sflag:s12], $0x2800  }
0x45: {  	s17 =	sadd.s32 $0x1, s17;
	[sflag:s12] =	ssyncset.done $0x0  }
0x46: {  	p0 =	sne.s32 s17, s8;
	[sflag:s12] =	ssyncadd.s32 $0xFFFFD800  }
.Ltmp1:
0x47: {  	[bflag:$0x0] =	sbarrier.arrive $0xFFFF;
	(pc) =	sbr.rel @p0 .LBB2_1-.Ltmp1, $4  }
0x48: {  	[hbm:s7], [sflag:s6] =	dma.local [spmem:s11], $0x2800  }
0x49: {  	_ =	swait.ge [sflag:s12], $0x2800  }
0x4a: {  	[sflag:s12] =	ssyncset.done $0x0  }
0x4b: {  	[sflag:s12] =	ssyncadd.s32 $0xFFFFD800  }
0x4c: {  	_ =	sfence.sel $0x180000  }
0x4d: {  	[bflag:$0x0] =	sbarrier.arrive $0xFFFF  }
0x4e: {  	p0 =	sne.s32 s0, $0x0;
	_ =	strace $0x9000004D  }
0x4f: {  	s0 =	sadd.s32 @!p0 $0x100000, s1;
	[bflag:$0x2] =	sbarrier.arrive $0xFFFF  }
0x50: {  	[sflag:s0] =	ssyncadd.tile.s32 @!p0 $0x1;
	_ =	shalt  }
.Lfunc_end2:
_tile_overlayer_lowered:
.L_overlay_start_2:
0x51: {  	(tag) =	ssettag $0x2  }
0x52: {  	s0 =	rddreg [dreg:$0x0];
	s2 =	stileid.u32  }
0x53: {  	s1 =	rddreg [dreg:$0x1];
	p0 =	sne.s32 s2, $0x0  }
0x54: {  	s3 =	rddreg [dreg:$0x2];
	[bflag:$0x3] =	sbarrier.arrive $0xFFFF;
	s2 =	simm.s32 @!p0 $0x1C02  }
0x55: {  	[timem:s3], [sflag:s2] =	dma.local @!p0 [hbm:s0], s1  }
0x56: {  	s0 =	simm.s32 @!p0 $0x2  }
0x57: {  	_ =	swait.ge @!p0 [sflag:s0], s1  }
0x58: {  	s1 =	ssub.s32 @!p0 $0x0, s1;
	[sflag:s0] =	ssyncset.done @!p0 $0x0  }
0x59: {  	[sflag:s0] =	ssyncadd.s32 @!p0 s1  }
0x5a: {  	[bflag:$0x3] =	sbarrier.arrive $0xFFFF  }
0x5b: {  	_ =	shalt  }

// kernel: kernel.8.cloned.1.call-start
scs
__scs_entry_jumppad:
0x0: {  	(pc) =	sbr.rel $0x88, $3  }
0x1: {  	(tag) =	ssettag $0x0;
	lr =	simm.s32 $0x1  }
0x2: {  	[smem:$0x3F99] =	sst lr;
	_ =	strace $0xD0000000  }
0x3: {  	_ = 	snop  }
0x4: {  	_ = 	snop  }
0x5: {  	_ = 	snop  }
0x6: {  	_ = 	snop  }
0x7: {  	_ = 	snop  }
__scs_overlays_trampoline_lowered:
0x8: {  	[smem:$0x3FA8] =	sst s0  }
0x9: {  	[smem:$0x3FA9] =	sst s1  }
0xa: {  	[smem:$0x3FAA] =	sst s2  }
0xb: {  	[smem:$0x3FAB] =	sst s3  }
0xc: {  	[smem:$0x3FAC] =	sst s4  }
0xd: {  	[smem:$0x3FAD] =	sst s5  }
0xe: {  	[smem:$0x3FAE] =	sst s6  }
0xf: {  	[smem:$0x3FAF] =	sst s7  }
0x10: {  	[smem:$0x3FB0] =	sst s8  }
0x11: {  	[smem:$0x3FB1] =	sst s9;
	s0 =	simm.s32 @!p0 $0x0  }
0x12: {  	s1 =	sld [smem:$0x3F97];
	s0 =	simm.s32 @p0 $0x1  }
0x13: {  	[smem:$0x3FB2] =	sst s0;
	s0 =	simm.s32 @!p1 $0x0  }
0x14: {  	s2 =	sld [smem:$0x3F96];
	s0 =	simm.s32 @p1 $0x1  }
0x15: {  	[smem:$0x3FB3] =	sst s0;
	s0 =	simm.s32 @!p2 $0x0  }
0x16: {  	s3 =	sld [smem:$0x3FDB];
	s0 =	simm.s32 @p2 $0x1  }
0x17: {  	s4 =	simm.s32 $0x1BF5;
	[smem:$0x3FB5] =	sst s0  }
0x18: {  	s0 =	sld [smem:$0x3F98];
	_ =	swait.ge [sflag:s4], $0x0  }
0x19: {  	s7 =	sld [smem:$0x3F99]  }
0x1a: {  	s8 =	sadd.s32 $0xFFFFE003, lr  }
0x1b: {  	s9 =	sadd.s32 $0xFFFFFEF7, lr;
	s5 =	simm.s32 $0xFFFFFFFF;
	p2 =	slt.u32 s8, $0xFFFFF086  }
0x1c: {  	p1 =	slt.u32 s9, $0xF7A;
	s5 =	simm.s32 @!p2 $0x0  }
0x1d: {  	s5 =	simm.s32 @p1 $0x1;
	p0 =	seq.s32 s7, s2  }
0x1e: {  	s7 =	smul.u32 @!p0 $0xF7A, s2;
	p2 =	seq.s32 @!p0 s5, $0x0  }
0x1f: {  	s9 =	smul.u32 $0xF7A, s1;
	s8 =	simm.s32 @!p0 $0x1BF5;
	p2 =	por !p2, p0  }
0x20: {  	[sflag:s8] =	ssyncset.s32 @!p0 $0xFFFFF086;
	s6 =	sadd.s32 @!p0 s3, s7;
	s7 =	simm.s32 @!p0 $0x108  }
0x21: {  	s3 =	sadd.s32 s3, s9;
	s6 =	sadd.s32 @!p0 $0x88, s6;
	s7 =	simm.s32 @p2 $0x1082  }
0x22: {  	[simem:s7], [sflag:s8] =	dma.local @!p0 [hbm:s6], $0xF7A  }
0x23: {  	s9 =	sor.u32 $0xD0000000, s2;
	s6 =	simm.s32 $0x108;
	_ =	swait.ge @!p0 [sflag:s8], $0x0  }
0x24: {  	s3 =	sadd.s32 $0x88, s3;
	s6 =	simm.s32 @!p1 $0x1082;
	[sflag:s4] =	ssyncset.s32 $0xFFFFF086  }
0x25: {  	[simem:s6], [sflag:s4] =	dma.local [hbm:s3], $0xF7A  }
0x26: {  	[smem:$0x3F99] =	sst s1;
	(tag) =	ssettag s2;
	_ =	strace s9  }
0x27: {  	s1 =	sld [smem:$0x3FA9]  }
0x28: {  	s2 =	sld [smem:$0x3FAA]  }
0x29: {  	s4 =	sld [smem:$0x3FAC]  }
0x2a: {  	p0 =	seq.s32 s5, $0x0;
	s5 =	sld [smem:$0x3FAD]  }
0x2b: {  	s6 =	sld [smem:$0x3FAE]  }
0x2c: {  	s7 =	sld [smem:$0x3FAF]  }
0x2d: {  	s3 =	simm.s32 $0x108;
	s8 =	sld [smem:$0x3FB0]  }
0x2e: {  	s3 =	simm.s32 @!p0 $0x1082;
	s9 =	sld [smem:$0x3FB1]  }
0x2f: {  	lr =	sadd.s32 s0, s3;
	s0 =	sld [smem:$0x3FA8]  }
0x30: {  	s3 =	sld [smem:$0x3FAB]  }
0x31: {  	[smem:$0x3FB4] =	sst s10  }
0x32: {  	s10 =	sld [smem:$0x3FB2];
	_ =	sdelay $0x3  }
0x33: {  	p0 =	seq.s32 s10, $0x1;
	s10 =	sld [smem:$0x3FB4];
	_ =	sdelay $0x3  }
0x34: {  	[smem:$0x3FB4] =	sst s10  }
0x35: {  	s10 =	sld [smem:$0x3FB3];
	_ =	sdelay $0x3  }
0x36: {  	p1 =	seq.s32 s10, $0x1;
	s10 =	sld [smem:$0x3FB4];
	_ =	sdelay $0x3  }
0x37: {  	[smem:$0x3FB4] =	sst s10  }
0x38: {  	s10 =	sld [smem:$0x3FB5]  }
0x39: {  	_ = 	snop;
	(pc) =	sbr.ind lr, $3  }
0x3a: {  	_ = 	snop  }
0x3b: {  	_ = 	snop  }
0x3c: {  	p2 =	seq.s32 s10, $0x1;
	s10 =	sld [smem:$0x3FB4]  }
0x3d: {  	_ =	shalt  }
0x3e: {  	_ =	shalt  }
0x3f: {  	_ =	shalt  }
0x40: {  	_ =	shalt  }
0x41: {  	_ =	shalt  }
0x42: {  	_ =	shalt  }
0x43: {  	_ =	shalt  }
0x44: {  	_ =	shalt  }
0x45: {  	_ =	shalt  }
0x46: {  	_ =	shalt  }
0x47: {  	_ =	shalt  }
0x48: {  	_ =	shalt  }
0x49: {  	_ =	shalt  }
0x4a: {  	_ =	shalt  }
0x4b: {  	_ =	shalt  }
0x4c: {  	_ =	shalt  }
0x4d: {  	_ =	shalt  }
0x4e: {  	_ =	shalt  }
0x4f: {  	_ =	shalt  }
0x50: {  	_ =	shalt  }
0x51: {  	_ =	shalt  }
0x52: {  	_ =	shalt  }
0x53: {  	_ =	shalt  }
0x54: {  	_ =	shalt  }
0x55: {  	_ =	shalt  }
0x56: {  	_ =	shalt  }
0x57: {  	_ =	shalt  }
0x58: {  	_ =	shalt  }
0x59: {  	_ =	shalt  }
0x5a: {  	_ =	shalt  }
0x5b: {  	_ =	shalt  }
0x5c: {  	_ =	shalt  }
0x5d: {  	_ =	shalt  }
0x5e: {  	_ =	shalt  }
0x5f: {  	_ =	shalt  }
0x60: {  	_ =	shalt  }
0x61: {  	_ =	shalt  }
0x62: {  	_ =	shalt  }
0x63: {  	_ =	shalt  }
0x64: {  	_ =	shalt  }
0x65: {  	_ =	shalt  }
0x66: {  	_ =	shalt  }
0x67: {  	_ =	shalt  }
0x68: {  	_ =	shalt  }
0x69: {  	_ =	shalt  }
0x6a: {  	_ =	shalt  }
0x6b: {  	_ =	shalt  }
0x6c: {  	_ =	shalt  }
0x6d: {  	_ =	shalt  }
0x6e: {  	_ =	shalt  }
0x6f: {  	_ =	shalt  }
0x70: {  	_ =	shalt  }
0x71: {  	_ =	shalt  }
0x72: {  	_ =	shalt  }
0x73: {  	_ =	shalt  }
0x74: {  	_ =	shalt  }
0x75: {  	_ =	shalt  }
0x76: {  	_ =	shalt  }
0x77: {  	_ =	shalt  }
0x78: {  	_ =	shalt  }
0x79: {  	_ =	shalt  }
0x7a: {  	_ =	shalt  }
0x7b: {  	_ =	shalt  }
0x7c: {  	_ =	shalt  }
0x7d: {  	_ =	shalt  }
0x7e: {  	_ =	shalt  }
0x7f: {  	_ =	shalt  }
0x80: {  	_ =	shalt  }
0x81: {  	_ =	shalt  }
0x82: {  	_ =	shalt  }
0x83: {  	_ =	shalt  }
0x84: {  	_ =	shalt  }
0x85: {  	_ =	shalt  }
0x86: {  	_ =	shalt  }
0x87: {  	_ =	shalt  }
.Lfunc_end0:
.L_simem_size_0:
called_computation_lowered:
.L_overlay_start_0:
0x88: {  	s2 =	sld [smem:$0x3FD9]  }
0x89: {  	s3 =	sld [smem:$0x3FFE];
	_ =	sdelay $0x1  }
0x8a: {  	s1 =	srdreg.scid  }
0x8b: {  	s0 =	sand.u32 $0x1, s1  }
0x8c: {  	s16 =	sshll.u32 s0, $0xA;
	s2 =	sadd.s32 s3, s2  }
0x8d: {  	s2 =	sadd.s32 s2, s16  }
0x8e: {  	[smem:$0x3FC0] =	sst s2  }
0x8f: {  	_ = 	snop  }
0x90: {  	(tm) =	ssettm $0x1  }
0x91: {  	s17 =	sld [smem:$0x3FFB];
	_ =	sdelay $0x3  }
0x92: {  	_ =	strace s17  }
0x93: {  	s2 =	sld [smem:$0x3FFC];
	_ =	sdelay $0x3  }
0x94: {  	_ =	strace s2  }
0x95: {  	s2 =	sld [smem:$0x3FFD];
	_ =	sdelay $0x3  }
0x96: {  	_ =	strace s2  }
0x97: {  	_ =	strace $0x8FFFFFFF  }
0x98: {  	s18 =	sld [smem:$0x3FDB];
	_ =	sdelay $0x1  }
0x99: {  	s19 =	simm.s32 $_scs_section_size  }
0x9a: {  	s4 =	simm.s32 $_size__tile_overlayer_lowered;
	s5 =	simm.s32 $_tile_overlayer_lowered  }
0x9b: {  	s22 =	simm.s32 $0x1BFF;
	s21 =	sshll.u32 s5, $0x1;
	s2 =	sadd.s32 s19, s18  }
0x9c: {  	s6 =	simm.s32 $0x0;
	s20 =	sshll.u32 s4, $0x1;
	s4 =	sadd.s32 s21, s2  }
0x9d: {  	[timem:s6], [sflag:s22] =	dma.local [hbm:s4], s20  }
0x9e: {  	_ =	swait.ge [sflag:s22], s20  }
0x9f: {  	s3 =	ssub.s32 $0x0, s20;
	[sflag:s22] =	ssyncset.done $0x0  }
0xa0: {  	[sflag:s22] =	ssyncadd.s32 s3;
	_ =	sdelay $0x1  }
0xa1: {  	s23 =	simm.s32 $0x1B8B  }
0xa2: {  	_ =	swait.ge [sflag:s23], $0x1  }
0xa3: {  	[sflag:s23] =	ssyncset.done $0x0  }
0xa4: {  	s25 =	simm.s32 $0x1B8E;
	s24 =	sld [smem:$0x3FFE];
	[sflag:s23] =	ssyncadd.s32 $0xFFFFFFFF  }
0xa5: {  	s26 =	simm.s32 $execute0_lowered;
	[smem:$0x3FD2] =	sst s25  }
0xa6: {  	s4 =	sshll.u32 s26, $0x1;
	_ =	strace $0x80000046;
	[dreg:$0x1] =	wrdreg $0xFFFFFFFF  }
0xa7: {  	s28 =	simm.s32 $_size_execute0_lowered;
	s2 =	sadd.s32 s2, s4;
	[dreg:$0x0] =	wrdreg $0x0  }
0xa8: {  	s4 =	sshll.u32 s28, $0x1;
	[dreg:$0x2] =	wrdreg s2  }
0xa9: {  	[dreg:$0x3] =	wrdreg s4  }
0xaa: {  	[dreg:$0x4] =	wrdreg $0xC0  }
0xab: {  	_ =	task [dreg:s6], $0x5FFFF  }
0xac: {  	[dreg:$0x1] =	wrdreg $0xFFFFFFFF  }
0xad: {  	[dreg:$0x0] =	wrdreg $0x60  }
0xae: {  	[dreg:$0x2] =	wrdreg s24  }
0xaf: {  	[dreg:$0x3] =	wrdreg $0x50800  }
0xb0: {  	[dreg:$0x4] =	wrdreg $0x9  }
0xb1: {  	_ =	task.clear_ibuf [dreg:s6], $0x5FFFF;
	_ =	strace $0x90000046  }
0xb2: {  	s29 =	simm.s32 $0x9;
	_ =	strace $0x80000048  }
0xb3: {  	_ =	swait.ge [sflag:s29], $0x1  }
0xb4: {  	[sflag:s29] =	ssyncadd.s32 $0xFFFFFFFF  }
0xb5: {  	_ =	strace $0x90000048  }
0xb6: {  	_ =	sfence  }
0xb7: {  	s30 =	sld [smem:$0x0];
	_ =	sdelay $0x2  }
0xb8: {  	s31 =	sshll.u32 s1, $0xD;
	s1 =	sshrl.u32 s1, $0x2  }
0xb9: {  	s3 =	sand.u32 $0x4000, s31;
	s1 =	sadd.s32 s1, s30  }
0xba: {  	s0 =	sor.u32 s3, s0;
	s1 =	sshll.u32 s1, $0x11  }
0xbb: {  	s0 =	sor.u32 s1, s0  }
0xbc: {  	s0 =	sadd.s32 $0x8F2B, s0  }
0xbd: {  	[sflag:s0] =	ssyncadd.remote.s32 $0x1  }
0xbe: {  	_ =	sfence.sel $0xFFFF  }
0xbf: {  	[dreg:$0x0] =	wrdreg $0xFFFFFFFF;
	(pc) =	sbr.abs _section_cstart, $3  }
0xc0: {  	[dreg:$0x1] =	wrdreg $0xFFFFFFFF  }
0xc1: {  	_ =	task.clear_ibuf [dreg:s6], $0x2FFFF;
	_ =	strace $0x9FFFFFFF  }
0xc2: {  	(tm) =	ssettm $0x7FFFFFFF  }
0xc3: {  	_ =	shalt  }
tec
execute0_lowered:
.L_overlay_start_1:
0x0: {  	(tag) =	ssettag $0x1  }
0x1: {  	s7 =	rddreg [dreg:$0x0]  }
0x2: {  	s0 =	srdreg.scid;
	s2 =	rddreg [dreg:$0x1]  }
0x3: {  	s1 =	rddreg [dreg:$0x2];
	s8 =	sand.u32 $0x1, s0  }
0x4: {  	s3 =	simm.s32 $0x0;
	s0 =	stileid.u32;
	s4 =	smul.u32 $0x27100, s8  }
0x5: {  	[smem:$0x7FF] =	sst s3;
	s5 =	smul.u32 $0x2710, s0  }
0x6: {  	s16 =	sadd.s32 $0x10800, s7;
	s17 =	sadd.s32 $0x13C00, s7;
	s22 =	smul.u32 $0x140000, s8  }
0x7: {  	s6 =	smul.u32 $0x14000, s0;
	_ =	strace $0x80000047;
	s10 =	sshll.u32 s8, $0x4  }
0x8: {  	s11 =	smul.u32 $0x50000, s0;
	s23 =	ssub.s32 $0x2, s8;
	s26 =	sshll.u32 s0, $0x6  }
0x9: {  	s24 =	sor.u32 s0, s10;
	s25 =	sshrl.u32 s23, $0x1;
	s4 =	sadd.s32 s5, s4  }
0xa: {  	s9 =	sadd.s32 s6, s22;
	s5 =	sadd.s32 $0x13600, s7;
	s6 =	sadd.s32 $0x10E00, s7  }
0xb: {  	s11 =	sshrl.u32 s11, $0x2;
	s14 =	smul.u32 $0x140, s24;
	s10 =	ssub.s32 s23, s25  }
0xc: {  	s12 =	smul.u32 $0x1400, s24;
	s22 =	simm.s32 $0x50;
	s23 =	simm.s32 $0x2880  }
0xd: {  	s24 =	simm.s32 $0x1;
	s25 =	simm.s32 $0x0;
	s4 =	sshrl.u32 s4, $0x3  }
0xe: {  	s9 =	sshrl.u32 s9, $0x3;
	s19 =	sadd.s32 s11, s2;
	s10 =	smax.u32 s10, $0x1  }
0xf: {  	s18 =	sadd.s32 s4, s7;
	s4 =	sadd.s32 $0xC800, s7;
	s9 =	sadd.s32 s9, s7  }
0x10: {  	s7 =	sor.u32 $0x1C02, s26;
	s28 =	sshrl.u32 s14, $0x3;
	s13 =	sadd.s32 $0x50, s14  }
0x11: {  	s11 =	sadd.s32 s17, s12;
	s15 =	sadd.s32 $0xA0, s14;
	s21 =	sadd.s32 $0xF0, s14  }
0x12: {  	s19 =	sshrl.u32 s19, $0x3;
	s8 =	sadd.s32 $0x3BC00, s9;
	s9 =	sadd.s32 s16, s28  }
0x13: {  	s29 =	sshrl.u32 s13, $0x3;
	s13 =	sshll.u32 s13, $0x4;
	s20 =	sshrl.u32 s15, $0x3  }
0x14: {  	s15 =	sshll.u32 s15, $0x4;
	s30 =	sshrl.u32 s21, $0x3;
	s31 =	sshll.u32 s21, $0x4  }
0x15: {  	s18 =	sadd.s32 $0x2A00, s18;
	s21 =	simm.s32 $0x2800;
	s12 =	sadd.s32 s16, s29  }
0x16: {  	s13 =	sadd.s32 s17, s13;
	s14 =	sadd.s32 s16, s20;
	s15 =	sadd.s32 s17, s15  }
0x17: {  	s16 =	sadd.s32 s16, s30;
	s17 =	sadd.s32 s17, s31;
	s20 =	simm.s32 $0x2  }
.LBB2_1:
0x18: {  	[spmem:s19], [sflag:s7] =	dma.local [hbm:s6], $0x2800  }
0x19: {  	_ =	swait.ge [sflag:s20], $0x2800  }
0x1a: {  	[sflag:s20] =	ssyncset.done $0x0  }
0x1b: {  	[sflag:s20] =	ssyncadd.s32 $0xFFFFD800  }
0x1c: {  	[tilespmem:s3], [sflag:$0x2] =	stream.linear.gather [hbm4b:s5+s3], $0x2800, $0x38;
	[tilespmem:$0x7880] =	vst v63  }
0x1d: {  	_ =	swait.ge [sflag:s20], $0x2800  }
0x1e: {  	[sflag:s20] =	ssyncset.done $0x0  }
0x1f: {  	[sflag:s20] =	ssyncadd.s32 $0xFFFFD800  }
0x20: {  	s26 =	sadd.s32 $0x0, s18;
	[bflag:$0x0] =	sbarrier.arrive $0xFFFF  }
0x21: {  	[tilespmem:s21], [sflag:$0x2] =	stream.linear.gather [hbm4b:s26+s3], $0x50, $0x38;
	[tilespmem:$0x7880] =	vst v63  }
0x22: {  	_ =	swait.ge [sflag:s20], $0x50  }
0x23: {  	[sflag:s20] =	ssyncset.done $0x0  }
0x24: {  	[sflag:s20] =	ssyncadd.s32 $0xFFFFFFB0  }
0x25: {  	[spmem:s2] =	stream.indirect.scatter.add.f32 [tilespmem:s3], [sflag:$0x2], $0x10, s21, s22, $0xb8;
	[tilespmem:$0x7880] =	vst v63  }
0x26: {  	_ =	swait.ge [sflag:s20], $0x500  }
0x27: {  	s28 =	simm.s32 $0x14;
	s26 =	simm.s32 $0xA;
	[sflag:s20] =	ssyncset.done $0x0  }
.LBB2_2:
0x28: {  	s29 =	sadd.s32 s26, s18  }
0x29: {  	[sflag:s20] =	ssyncadd.s32 $0xFFFFFB00;
	s26 =	smov.u32 s28;
	s30 =	sadd.s32 $0xA, s28  }
0x2a: {  	[tilespmem:s21], [sflag:$0x2] =	stream.linear.gather [hbm4b:s29+s3], $0x50, $0x38;
	[tilespmem:$0x7880] =	vst v63  }
0x2b: {  	p0 =	sne.s32 s28, $0x4D8;
	_ =	swait.ge [sflag:s20], $0x50  }
.Ltmp0:
0x2c: {  	[sflag:s20] =	ssyncset.done $0x0;
	(pc) =	sbr.rel @p0 .LBB2_2-.Ltmp0, $4  }
0x2d: {  	[sflag:s20] =	ssyncadd.s32 $0xFFFFFFB0  }
0x2e: {  	[spmem:s2] =	stream.indirect.scatter.add.f32 [tilespmem:s3], [sflag:$0x2], $0x10, s21, s22, $0xb8;
	[tilespmem:$0x7880] =	vst v63  }
0x2f: {  	_ =	swait.ge [sflag:s20], $0x500  }
0x30: {  	s28 =	smov.u32 s30;
	[sflag:s20] =	ssyncset.done $0x0  }
0x31: {  	s26 =	sadd.s32 s26, s18;
	[sflag:s20] =	ssyncadd.s32 $0xFFFFFB00  }
0x32: {  	[tilespmem:s21], [sflag:$0x2] =	stream.linear.gather [hbm4b:s26+s3], $0x50, $0x38;
	[tilespmem:$0x7880] =	vst v63  }
0x33: {  	_ =	swait.ge [sflag:s20], $0x50  }
0x34: {  	[sflag:s20] =	ssyncset.done $0x0  }
0x35: {  	[sflag:s20] =	ssyncadd.s32 $0xFFFFFFB0  }
0x36: {  	[spmem:s2] =	stream.indirect.scatter.add.f32 [tilespmem:s3], [sflag:$0x2], $0x10, s21, s22, $0xb8;
	[tilespmem:$0x7880] =	vst v63  }
0x37: {  	_ =	swait.ge [sflag:s20], $0x500  }
0x38: {  	[sflag:s20] =	ssyncset.done $0x0  }
0x39: {  	[sflag:s20] =	ssyncadd.s32 $0xFFFFFB00  }
0x3a: {  	[tilespmem:s21], [sflag:$0x2] =	stream.linear.gather [hbm4b:s9+s3], $0x50, $0x38;
	[tilespmem:$0x7880] =	vst v63  }
0x3b: {  	_ =	swait.ge [sflag:s20], $0x50  }
0x3c: {  	[sflag:s20] =	ssyncset.done $0x0  }
0x3d: {  	[sflag:s20] =	ssyncadd.s32 $0xFFFFFFB0  }
0x3e: {  	[tilespmem:s23], [sflag:$0x1] =	stream.indirect.gather [hbm4b:s4+s22], $0x80, s21, s22, $0xb8;
	[tilespmem:$0x7880] =	vst v63  }
0x3f: {  	_ =	swait.ge [sflag:s24], $0x2800  }
0x40: {  	[sflag:s24] =	ssyncset.done $0x0  }
0x41: {  	[sflag:s24] =	ssyncadd.s32 $0xFFFFD800  }
0x42: {  	[hbm4b:s11+s3] =	stream.linear.scatter [tilespmem:s23], [sflag:$0x2], $0x2800, $0x38;
	[tilespmem:$0x7880] =	vst v63  }
0x43: {  	_ =	swait.ge [sflag:s20], $0x2800  }
0x44: {  	[sflag:s20] =	ssyncset.done $0x0  }
0x45: {  	[sflag:s20] =	ssyncadd.s32 $0xFFFFD800  }
0x46: {  	[tilespmem:s21], [sflag:$0x2] =	stream.linear.gather [hbm4b:s12+s3], $0x50, $0x38;
	[tilespmem:$0x7880] =	vst v63  }
0x47: {  	_ =	swait.ge [sflag:s20], $0x50  }
0x48: {  	[sflag:s20] =	ssyncset.done $0x0  }
0x49: {  	[sflag:s20] =	ssyncadd.s32 $0xFFFFFFB0  }
0x4a: {  	[tilespmem:s23], [sflag:$0x1] =	stream.indirect.gather [hbm4b:s4+s22], $0x80, s21, s22, $0xb8;
	[tilespmem:$0x7880] =	vst v63  }
0x4b: {  	_ =	swait.ge [sflag:s24], $0x2800  }
0x4c: {  	[sflag:s24] =	ssyncset.done $0x0  }
0x4d: {  	[sflag:s24] =	ssyncadd.s32 $0xFFFFD800  }
0x4e: {  	[hbm4b:s13+s3] =	stream.linear.scatter [tilespmem:s23], [sflag:$0x2], $0x2800, $0x38;
	[tilespmem:$0x7880] =	vst v63  }
0x4f: {  	_ =	swait.ge [sflag:s20], $0x2800  }
0x50: {  	[sflag:s20] =	ssyncset.done $0x0  }
0x51: {  	[sflag:s20] =	ssyncadd.s32 $0xFFFFD800  }
0x52: {  	[tilespmem:s21], [sflag:$0x2] =	stream.linear.gather [hbm4b:s14+s3], $0x50, $0x38;
	[tilespmem:$0x7880] =	vst v63  }
0x53: {  	_ =	swait.ge [sflag:s20], $0x50  }
0x54: {  	[sflag:s20] =	ssyncset.done $0x0  }
0x55: {  	[sflag:s20] =	ssyncadd.s32 $0xFFFFFFB0  }
0x56: {  	[tilespmem:s23], [sflag:$0x1] =	stream.indirect.gather [hbm4b:s4+s22], $0x80, s21, s22, $0xb8;
	[tilespmem:$0x7880] =	vst v63  }
0x57: {  	_ =	swait.ge [sflag:s24], $0x2800  }
0x58: {  	[sflag:s24] =	ssyncset.done $0x0  }
0x59: {  	[sflag:s24] =	ssyncadd.s32 $0xFFFFD800  }
0x5a: {  	[hbm4b:s15+s3] =	stream.linear.scatter [tilespmem:s23], [sflag:$0x2], $0x2800, $0x38;
	[tilespmem:$0x7880] =	vst v63  }
0x5b: {  	_ =	swait.ge [sflag:s20], $0x2800  }
0x5c: {  	[sflag:s20] =	ssyncset.done $0x0  }
0x5d: {  	[sflag:s20] =	ssyncadd.s32 $0xFFFFD800  }
0x5e: {  	[tilespmem:s21], [sflag:$0x2] =	stream.linear.gather [hbm4b:s16+s3], $0x50, $0x38;
	[tilespmem:$0x7880] =	vst v63  }
0x5f: {  	_ =	swait.ge [sflag:s20], $0x50  }
0x60: {  	[sflag:s20] =	ssyncset.done $0x0  }
0x61: {  	[sflag:s20] =	ssyncadd.s32 $0xFFFFFFB0  }
0x62: {  	[tilespmem:s23], [sflag:$0x1] =	stream.indirect.gather [hbm4b:s4+s22], $0x80, s21, s22, $0xb8;
	[tilespmem:$0x7880] =	vst v63  }
0x63: {  	_ =	swait.ge [sflag:s24], $0x2800  }
0x64: {  	[sflag:s24] =	ssyncset.done $0x0  }
0x65: {  	[sflag:s24] =	ssyncadd.s32 $0xFFFFD800  }
0x66: {  	[hbm4b:s17+s3] =	stream.linear.scatter [tilespmem:s23], [sflag:$0x2], $0x2800, $0x38;
	[tilespmem:$0x7880] =	vst v63  }
0x67: {  	_ =	swait.ge [sflag:s20], $0x2800  }
0x68: {  	s25 =	sadd.s32 $0x1, s25;
	[sflag:s20] =	ssyncset.done $0x0  }
0x69: {  	p0 =	sne.s32 s25, s10;
	[sflag:s20] =	ssyncadd.s32 $0xFFFFD800  }
.Ltmp1:
0x6a: {  	[bflag:$0x0] =	sbarrier.arrive $0xFFFF;
	(pc) =	sbr.rel @p0 .LBB2_1-.Ltmp1, $4  }
0x6b: {  	[hbm:s8], [sflag:s7] =	dma.local [spmem:s19], $0x2800  }
0x6c: {  	_ =	swait.ge [sflag:s20], $0x2800  }
0x6d: {  	[sflag:s20] =	ssyncset.done $0x0  }
0x6e: {  	[sflag:s20] =	ssyncadd.s32 $0xFFFFD800  }
0x6f: {  	_ =	sfence.sel $0x180000  }
0x70: {  	[bflag:$0x0] =	sbarrier.arrive $0xFFFF  }
0x71: {  	p0 =	sne.s32 s0, $0x0;
	_ =	strace $0x90000047  }
0x72: {  	s0 =	sadd.s32 @!p0 $0x100000, s1;
	[bflag:$0x2] =	sbarrier.arrive $0xFFFF  }
0x73: {  	[sflag:s0] =	ssyncadd.tile.s32 @!p0 $0x1;
	_ =	shalt  }
.Lfunc_end2:
_tile_overlayer_lowered:
.L_overlay_start_2:
0x74: {  	(tag) =	ssettag $0x2  }
0x75: {  	s0 =	rddreg [dreg:$0x0];
	s2 =	stileid.u32  }
0x76: {  	s1 =	rddreg [dreg:$0x1];
	p0 =	sne.s32 s2, $0x0  }
0x77: {  	s3 =	rddreg [dreg:$0x2];
	[bflag:$0x3] =	sbarrier.arrive $0xFFFF;
	s2 =	simm.s32 @!p0 $0x1C02  }
0x78: {  	[timem:s3], [sflag:s2] =	dma.local @!p0 [hbm:s0], s1  }
0x79: {  	s0 =	simm.s32 @!p0 $0x2  }
0x7a: {  	_ =	swait.ge @!p0 [sflag:s0], s1  }
0x7b: {  	s1 =	ssub.s32 @!p0 $0x0, s1;
	[sflag:s0] =	ssyncset.done @!p0 $0x0  }
0x7c: {  	[sflag:s0] =	ssyncadd.s32 @!p0 s1  }
0x7d: {  	[bflag:$0x3] =	sbarrier.arrive $0xFFFF  }
0x7e: {  	_ =	shalt  }

</sc_bundles>
